<compile_context>
chip_gen: v7x
topology: tpu7x:2x2x1
jax: 0.10.2.dev20260603
libtpu: 0.0.44.dev20260713+nightly
codegen_flags: <defaults>
</compile_context>

<pallas_src>
import functools

import jax
import jax.numpy as jnp
from jax import lax
from jax.experimental import pallas as pl
from jax.experimental.pallas import tpu as pltpu
from jax.experimental.pallas import tpu_sc as plsc

B = 4
N1 = 65536
N2 = 16384
n1 = N1 // B
n2 = N2 // B
D = 64
K = 3
T1 = 512
T2 = 512

Nh = N1 // 2
_NC = 2
_NS = 16
_NW = _NC * _NS
_ROWS = Nh * K
_CH = 128
_NCH = _ROWS // (_NW * _CH)


def _knn_body(base_b, p1_ref, p2_ref, col_ref, idx_ref, w_ref):
    g = pl.program_id(0)
    b = base_b + g // (n1 // T1)
    pts = p1_ref[...]
    p2t = p2_ref[0]
    colf = col_ref[...]
    p2sq = (p2t[0:1] * p2t[0:1] + p2t[1:2] * p2t[1:2]
            + p2t[2:3] * p2t[2:3])
    m2 = -2.0 * pts
    s = (p2sq + m2[:, 0:1] * p2t[0:1]
         + m2[:, 1:2] * p2t[1:2]
         + m2[:, 2:3] * p2t[2:3])
    p1sq = jnp.sum(pts * pts, axis=1, keepdims=True)
    js = []
    ws = []
    for k in range(K):
        m = jnp.min(s, axis=1, keepdims=True)
        eq = s == m
        j = jnp.min(jnp.where(eq, colf, jnp.float32(n2)), axis=1,
                    keepdims=True)
        if k < K - 1:
            s = jnp.where(eq, jnp.float32(1e30), s)
        d2 = jnp.maximum(m + p1sq, 0.0)
        ws.append(1.0 / (jnp.sqrt(d2) + 1e-8))
        js.append(j)
    wsum = ws[0] + ws[1] + ws[2]
    w_ref[...] = (jnp.concatenate(ws, axis=1) / wsum).T
    idx = jnp.concatenate(js, axis=1).T
    idx_ref[...] = idx.astype(jnp.int32) + b * n2


def _knn_half(p1_h, p2t_h, colf, base_b):
    nt1 = Nh // T1
    return pl.pallas_call(
        functools.partial(_knn_body, base_b),
        grid=(nt1,),
        in_specs=[
            pl.BlockSpec((T1, 3), lambda g: (g, 0)),
            pl.BlockSpec((1, 3, n2), lambda g: (g // (n1 // T1), 0, 0)),
            pl.BlockSpec((1, n2), lambda g: (0, 0)),
        ],
        out_specs=[
            pl.BlockSpec((K, T1), lambda g: (0, g)),
            pl.BlockSpec((K, T1), lambda g: (0, g)),
        ],
        out_shape=[
            jax.ShapeDtypeStruct((K, Nh), jnp.int32),
            jax.ShapeDtypeStruct((K, Nh), jnp.float32),
        ],
    )(p1_h, p2t_h, colf)


@functools.lru_cache(maxsize=1)
def _make_sc_gather():
    return functools.partial(
        pl.kernel,
        mesh=plsc.VectorSubcoreMesh(core_axis_name="c", subcore_axis_name="s"),
        compiler_params=pltpu.CompilerParams(use_tc_tiling_on_sc=False),
        out_type=jax.ShapeDtypeStruct((_ROWS, D), jnp.float32),
        scratch_types=[
            pltpu.VMEM((_NCH, _CH), jnp.int32),
            pltpu.VMEM((_CH, D), jnp.float32),
            pltpu.VMEM((_CH, D), jnp.float32),
            pltpu.SemaphoreType.DMA,
            pltpu.SemaphoreType.DMA,
        ],
    )(_sc_gather_body)


def _sc_gather_body(x2_hbm, idx_hbm, out_hbm, idx_v, buf0, buf1, sem0, sem1):
    wid = lax.axis_index("s") * _NC + lax.axis_index("c")
    pltpu.sync_copy(idx_hbm.at[pl.ds(wid * _NCH, _NCH)], idx_v)
    base = wid * _NCH * _CH

    def body(jj, carry):
        j0 = jj * 2
        cp0 = pltpu.make_async_copy(x2_hbm.at[idx_v.at[j0]], buf0, sem0)
        cp0.start()
        cp1 = pltpu.make_async_copy(x2_hbm.at[idx_v.at[j0 + 1]], buf1, sem1)
        cp1.start()
        cp0.wait()
        pltpu.sync_copy(buf0, out_hbm.at[pl.ds(base + j0 * _CH, _CH)])
        cp1.wait()
        pltpu.sync_copy(buf1, out_hbm.at[pl.ds(base + (j0 + 1) * _CH, _CH)])
        return carry

    lax.fori_loop(0, _NCH // 2, body, 0)


def _mlp_body(x1_ref, f0_ref, f1_ref, f2_ref, w_ref, w1_ref, w2_ref, b_ref,
              h_ref, s_ref, ss_ref):
    g = pl.program_id(0)
    wt = w_ref[...]
    w0 = wt[0:1, :].T
    w1 = wt[1:2, :].T
    w2 = wt[2:3, :].T
    interp = (f0_ref[...] * w0 + f1_ref[...] * w1
              + f2_ref[...] * w2)
    h = (jnp.dot(x1_ref[...], w1_ref[...], preferred_element_type=jnp.float32,
                 precision=lax.Precision.HIGHEST)
         + jnp.dot(interp, w2_ref[...], preferred_element_type=jnp.float32,
                   precision=lax.Precision.HIGHEST)
         + b_ref[...])
    h_ref[...] = h
    hr = h.reshape(8, T2 // 8, D)
    ps = jnp.sum(hr, axis=1)
    pss = jnp.sum(hr * hr, axis=1)

    @pl.when(g == 0)
    def _():
        s_ref[...] = ps
        ss_ref[...] = pss

    @pl.when(g > 0)
    def _():
        s_ref[...] = s_ref[...] + ps
        ss_ref[...] = ss_ref[...] + pss


def _mlp_half(x1_h, feats_h, w_h, W, b):
    nth = Nh // T2
    row_spec = pl.BlockSpec((T2, D), lambda g: (g, 0))
    f_specs = [
        pl.BlockSpec((T2, D), lambda g, k=k: (k * nth + g, 0)) for k in range(K)
    ]
    full64 = pl.BlockSpec((D, D), lambda g: (0, 0))
    stat_spec = pl.BlockSpec((8, D), lambda g: (0, 0))
    return pl.pallas_call(
        _mlp_body,
        grid=(nth,),
        in_specs=[
            row_spec, *f_specs,
            pl.BlockSpec((K, T2), lambda g: (0, g)),
            full64, full64,
            pl.BlockSpec((1, D), lambda g: (0, 0)),
        ],
        out_specs=[row_spec, stat_spec, stat_spec],
        out_shape=[
            jax.ShapeDtypeStruct((Nh, D), jnp.float32),
            jax.ShapeDtypeStruct((8, D), jnp.float32),
            jax.ShapeDtypeStruct((8, D), jnp.float32),
        ],
    )(x1_h, feats_h, feats_h, feats_h, w_h, W[:D], W[D:], b.reshape(1, D))


def _bn_body(h_ref, s0_ref, ss0_ref, s1_ref, ss1_ref, gm_ref, bt_ref, o_ref):
    s = jnp.sum(s0_ref[...] + s1_ref[...], axis=0, keepdims=True)
    ss = jnp.sum(ss0_ref[...] + ss1_ref[...], axis=0, keepdims=True)
    mu = s / N1
    var = ss / N1 - mu * mu
    inv = lax.rsqrt(var + 1e-5)
    h = h_ref[...]
    o_ref[...] = jnp.maximum(gm_ref[...] * ((h - mu) * inv) + bt_ref[...], 0.0)


def _bn_half(h_h, s0, ss0, s1, ss1, gamma, beta):
    nth = Nh // T2
    row_spec = pl.BlockSpec((T2, D), lambda g: (g, 0))
    stat_spec = pl.BlockSpec((8, D), lambda g: (0, 0))
    return pl.pallas_call(
        _bn_body,
        grid=(nth,),
        in_specs=[
            row_spec, stat_spec, stat_spec, stat_spec, stat_spec,
            pl.BlockSpec((1, D), lambda g: (0, 0)),
            pl.BlockSpec((1, D), lambda g: (0, 0)),
        ],
        out_specs=row_spec,
        out_shape=jax.ShapeDtypeStruct((Nh, D), jnp.float32),
    )(h_h, s0, ss0, s1, ss1, gamma.reshape(1, D), beta.reshape(1, D))


def kernel(p1, x1, o1, p2, x2, o2, W, b, gamma, beta):
    p2t = p2.reshape(B, n2, 3).transpose(0, 2, 1)
    colf = jnp.arange(n2, dtype=jnp.float32)[None, :]
    gather = _make_sc_gather()

    idx0, w0 = _knn_half(p1[:Nh], p2t[:2], colf, 0)
    feats0 = gather(x2, idx0.reshape(_ROWS // _CH, _CH))
    idx1, w1 = _knn_half(p1[Nh:], p2t[2:], colf, 2)
    feats1 = gather(x2, idx1.reshape(_ROWS // _CH, _CH))

    h0, s0, ss0 = _mlp_half(x1[:Nh], feats0, w0, W, b)
    h1, s1, ss1 = _mlp_half(x1[Nh:], feats1, w1, W, b)

    x_0 = _bn_half(h0, s0, ss0, s1, ss1, gamma, beta)
    x_1 = _bn_half(h1, s0, ss0, s1, ss1, gamma, beta)
    x = jnp.concatenate([x_0, x_1], axis=0)

    return (p1, x, o1)

# --- scband reference (transcript-rebuilt; emitter-appended) ---
"""Pipeline reference for scband-upsampling-88278757802288 (READ-ONLY COPY).

The authoritative reference and input builder live on the scoring server;
editing this copy changes nothing except your own understanding.
"""

import jax, jax.numpy as jnp
import numpy as np

B = 4
N1 = 65536
N2 = 16384
n1 = N1 // B
n2 = N2 // B
D_SPARSE = 64
D_DENSE = 64
D_OUT = 64
K = 3  # pointops.interpolation uses 3-NN inverse-distance weights


def setup_inputs(seed: int = 0) -> dict:
    key = jax.random.key(seed)
    ks = jax.random.split(key, 8)
    p1 = jax.random.uniform(ks[0], (N1, 3), dtype=jnp.float32)
    x1 = jax.random.normal(ks[1], (N1, D_DENSE), dtype=jnp.float32)
    o1 = jnp.array([n1 * (i + 1) for i in range(B)], dtype=jnp.int32)
    p2 = jax.random.uniform(ks[2], (N2, 3), dtype=jnp.float32)
    x2 = jax.random.normal(ks[3], (N2, D_SPARSE), dtype=jnp.float32)
    o2 = jnp.array([n2 * (i + 1) for i in range(B)], dtype=jnp.int32)
    W = jax.random.normal(ks[4], (D_SPARSE + D_DENSE, D_OUT), dtype=jnp.float32) * 0.05
    b = jnp.zeros((D_OUT,), dtype=jnp.float32)
    gamma = jnp.ones((D_OUT,), dtype=jnp.float32)
    beta = jnp.zeros((D_OUT,), dtype=jnp.float32)
    return {"p1": p1, "x1": x1, "o1": o1, "p2": p2, "x2": x2, "o2": o2,
            "W": W, "b": b, "gamma": gamma, "beta": beta}


def _interpolation(p1, p2, x2):
    # pointops.interpolation: for each dense point, 3-NN among sparse points
    # of the same batch segment; inverse-distance weighted feature average.
    # Segments are equal-sized here, so reshape per batch.
    p1b = p1.reshape(B, n1, 3)
    p2b = p2.reshape(B, n2, 3)
    x2b = x2.reshape(B, n2, D_SPARSE)
    outs = []
    for i in range(B):
        d2 = jnp.sum((p1b[i][:, None, :] - p2b[i][None, :, :]) ** 2, axis=-1)  # [n1, n2]
        neg_d2, idx = jax.lax.top_k(-d2, K)  # nearest K
        dist = jnp.sqrt(jnp.maximum(-neg_d2, 0.0))
        w = 1.0 / (dist + 1e-8)
        w = w / jnp.sum(w, axis=1, keepdims=True)
        feats = jnp.take(x2b[i], idx, axis=0)  # [n1, K, D_SPARSE] gather
        outs.append(jnp.sum(feats * w[:, :, None], axis=1))
    return jnp.concatenate(outs, axis=0)  # [N1, D_SPARSE]


def reference(p1, x1, o1, p2, x2, o2, W, b, gamma, beta):
    interpolated = _interpolation(p1, p2, x2)
    h = jnp.concatenate([x1, interpolated], axis=1) @ W + b  # Linear
    # BatchNorm1d (training-mode batch statistics over the point dimension)
    mu = jnp.mean(h, axis=0)
    var = jnp.var(h, axis=0)
    hn = (h - mu) / jnp.sqrt(var + 1e-5)
    x = jax.nn.relu(gamma * hn + beta)
    return (p1, x, o1)

if __name__ == "__main__":
    import jax
    _d = setup_inputs()
    print(jax.jit(kernel)(*tuple(_d.values())))

</pallas_src>

<mosaic_0001>
#map = affine_map<(d0, d1) -> (0, 0)>
module attributes {stable_mosaic.version = 14 : i64} {
  func.func @_sc_gather_body(%arg0: i32, %arg1: i32, %arg2: memref<16384x64xf32, #tpu.memory_space<hbm>>, %arg3: memref<768x128xi32, #tpu.memory_space<hbm>>, %arg4: memref<98304x64xf32, #tpu.memory_space<hbm>>, %arg5: memref<24x128xi32, #tpu.memory_space<vmem>>, %arg6: memref<128x64xf32, #tpu.memory_space<vmem>>, %arg7: memref<128x64xf32, #tpu.memory_space<vmem>>, %arg8: memref<!tpu.dma_semaphore, #tpu.memory_space<semaphore_mem>>, %arg9: memref<!tpu.dma_semaphore, #tpu.memory_space<semaphore_mem>>) attributes {dimension_semantics = [#tpu.dimension_semantics<core_parallel>, #tpu.dimension_semantics<subcore_parallel>], iteration_bounds = array<i64: 2, 16>, scalar_prefetch = 0 : i64, scratch_operands = 5 : i64, tpu.core_type = #tpu.core_type<sc_vector_subcore>, window_params = [{transform_indices = #map}, {transform_indices = #map}, {transform_indices = #map}]} {
    %mul3A = arith.constant 2 : i32
    %mul3A_0 = arith.muli %arg1, %mul3A : i32
    %add3A = arith.addi %mul3A_0, %arg0 : i32
    %mul3A_1 = arith.constant 24 : i32
    %mul3A_2 = arith.muli %add3A, %mul3A_1 : i32
    "tpu.region"() ({
      %run_scoped3A = tpu.sem_alloc : memref<!tpu.dma_semaphore, #tpu.memory_space<semaphore_mem>>
      %dma_start3A = arith.constant 0 : i32
      %dma_start3A_12 = tpu.memref_slice %arg3[%mul3A_2, %dma_start3A] : memref<768x128xi32, #tpu.memory_space<hbm>> -> memref<24x128xi32, #tpu.memory_space<hbm>>
      %dma_start3A_13 = arith.constant 0 : i32
      %dma_start3A_14 = tpu.memref_slice %arg3[%mul3A_2, %dma_start3A_13] : memref<768x128xi32, #tpu.memory_space<hbm>> -> memref<24x128xi32, #tpu.memory_space<hbm>>
      tpu.enqueue_dma source(%dma_start3A_14 : memref<24x128xi32, #tpu.memory_space<hbm>>) target(%arg5 : memref<24x128xi32, #tpu.memory_space<vmem>>) target_semaphore(%run_scoped3A : memref<!tpu.dma_semaphore, #tpu.memory_space<semaphore_mem>>)
      %dma_wait3A = arith.constant 0 : i32
      %dma_wait3A_15 = tpu.memref_slice %arg3[%mul3A_2, %dma_wait3A] : memref<768x128xi32, #tpu.memory_space<hbm>> -> memref<24x128xi32, #tpu.memory_space<hbm>>
      %dma_wait3A_16 = arith.constant 0 : i32
      %dma_wait3A_17 = tpu.memref_slice %arg3[%mul3A_2, %dma_wait3A_16] : memref<768x128xi32, #tpu.memory_space<hbm>> -> memref<24x128xi32, #tpu.memory_space<hbm>>
      tpu.wait_dma2 semaphore(%run_scoped3A : memref<!tpu.dma_semaphore, #tpu.memory_space<semaphore_mem>>) src(%dma_wait3A_17 : memref<24x128xi32, #tpu.memory_space<hbm>>) dst(%arg5 : memref<24x128xi32, #tpu.memory_space<vmem>>)
      tpu.yield
    }) : () -> ()
    %mul3A_3 = arith.constant 24 : i32
    %mul3A_4 = arith.muli %add3A, %mul3A_3 : i32
    %mul3A_5 = arith.constant 128 : i32
    %mul3A_6 = arith.muli %mul3A_4, %mul3A_5 : i32
    %scan3A = arith.constant 0 : i32
    %scan3A_7 = arith.constant 0 : i32
    %scan3A_8 = arith.constant 12 : i32
    %scan3A_9 = arith.addi %scan3A_7, %scan3A_8 : i32
    %scan3A_10 = arith.constant 1 : i32
    scf.for %scan3A_12 = %scan3A_7 to %scan3A_9 step %scan3A_10  : i32 {
      %mul3A_13 = arith.constant 2 : i32
      %mul3A_14 = arith.muli %scan3A_12, %mul3A_13 : i32
      %dma_start3A = arith.constant 0 : i32
      %dma_start3A_15 = tpu.memref_slice %arg5[%mul3A_14, %dma_start3A] : memref<24x128xi32, #tpu.memory_space<vmem>> -> memref<1x128xi32, #tpu.memory_space<vmem>>
      %dma_start3A_16 = tpu.memref_squeeze %dma_start3A_15 : memref<1x128xi32, #tpu.memory_space<vmem>> -> memref<128xi32, #tpu.memory_space<vmem>>
      %dma_start3A_17 = arith.constant 0 : i32
      %dma_start3A_18 = arith.constant 0 : i32
      %dma_start3A_19 = tpu.memref_slice %arg2[%dma_start3A_17, %dma_start3A_18] : memref<16384x64xf32, #tpu.memory_space<hbm>> -> memref<16384x64xf32, #tpu.memory_space<hbm>>
      tpu.enqueue_indirect_dma source(%dma_start3A_19 : memref<16384x64xf32, #tpu.memory_space<hbm>>) target(%arg6 : memref<128x64xf32, #tpu.memory_space<vmem>>) offsets(%dma_start3A_16 : memref<128xi32, #tpu.memory_space<vmem>>) semaphore(%arg8 : memref<!tpu.dma_semaphore, #tpu.memory_space<semaphore_mem>>)
      %add3A_20 = arith.constant 1 : i32
      %add3A_21 = arith.addi %mul3A_14, %add3A_20 : i32
      %dma_start3A_22 = arith.constant 0 : i32
      %dma_start3A_23 = tpu.memref_slice %arg5[%add3A_21, %dma_start3A_22] : memref<24x128xi32, #tpu.memory_space<vmem>> -> memref<1x128xi32, #tpu.memory_space<vmem>>
      %dma_start3A_24 = tpu.memref_squeeze %dma_start3A_23 : memref<1x128xi32, #tpu.memory_space<vmem>> -> memref<128xi32, #tpu.memory_space<vmem>>
      %dma_start3A_25 = arith.constant 0 : i32
      %dma_start3A_26 = arith.constant 0 : i32
      %dma_start3A_27 = tpu.memref_slice %arg2[%dma_start3A_25, %dma_start3A_26] : memref<16384x64xf32, #tpu.memory_space<hbm>> -> memref<16384x64xf32, #tpu.memory_space<hbm>>
      tpu.enqueue_indirect_dma source(%dma_start3A_27 : memref<16384x64xf32, #tpu.memory_space<hbm>>) target(%arg7 : memref<128x64xf32, #tpu.memory_space<vmem>>) offsets(%dma_start3A_24 : memref<128xi32, #tpu.memory_space<vmem>>) semaphore(%arg9 : memref<!tpu.dma_semaphore, #tpu.memory_space<semaphore_mem>>)
      %dma_wait3A = arith.constant 0 : i32
      %dma_wait3A_28 = tpu.memref_slice %arg5[%mul3A_14, %dma_wait3A] : memref<24x128xi32, #tpu.memory_space<vmem>> -> memref<1x128xi32, #tpu.memory_space<vmem>>
      %dma_wait3A_29 = tpu.memref_squeeze %dma_wait3A_28 : memref<1x128xi32, #tpu.memory_space<vmem>> -> memref<128xi32, #tpu.memory_space<vmem>>
      %dma_wait3A_30 = arith.constant 0 : i32
      %dma_wait3A_31 = arith.constant 0 : i32
      %dma_wait3A_32 = tpu.memref_slice %arg2[%dma_wait3A_30, %dma_wait3A_31] : memref<16384x64xf32, #tpu.memory_space<hbm>> -> memref<16384x64xf32, #tpu.memory_space<hbm>>
      tpu.wait_indirect_dma semaphore(%arg8 : memref<!tpu.dma_semaphore, #tpu.memory_space<semaphore_mem>>) src(%dma_wait3A_32 : memref<16384x64xf32, #tpu.memory_space<hbm>>) dst(%arg6 : memref<128x64xf32, #tpu.memory_space<vmem>>)
      %mul3A_33 = arith.constant 128 : i32
      %mul3A_34 = arith.muli %mul3A_14, %mul3A_33 : i32
      %add3A_35 = arith.addi %mul3A_6, %mul3A_34 : i32
      "tpu.region"() ({
        %run_scoped3A = tpu.sem_alloc : memref<!tpu.dma_semaphore, #tpu.memory_space<semaphore_mem>>
        %dma_start3A_47 = arith.constant 0 : i32
        %dma_start3A_48 = tpu.memref_slice %arg4[%add3A_35, %dma_start3A_47] : memref<98304x64xf32, #tpu.memory_space<hbm>> -> memref<128x64xf32, #tpu.memory_space<hbm>>
        %dma_start3A_49 = arith.constant 0 : i32
        %dma_start3A_50 = tpu.memref_slice %arg4[%add3A_35, %dma_start3A_49] : memref<98304x64xf32, #tpu.memory_space<hbm>> -> memref<128x64xf32, #tpu.memory_space<hbm>>
        tpu.enqueue_dma source(%arg6 : memref<128x64xf32, #tpu.memory_space<vmem>>) target(%dma_start3A_50 : memref<128x64xf32, #tpu.memory_space<hbm>>) target_semaphore(%run_scoped3A : memref<!tpu.dma_semaphore, #tpu.memory_space<semaphore_mem>>)
        %dma_wait3A_51 = arith.constant 0 : i32
        %dma_wait3A_52 = tpu.memref_slice %arg4[%add3A_35, %dma_wait3A_51] : memref<98304x64xf32, #tpu.memory_space<hbm>> -> memref<128x64xf32, #tpu.memory_space<hbm>>
        %dma_wait3A_53 = arith.constant 0 : i32
        %dma_wait3A_54 = tpu.memref_slice %arg4[%add3A_35, %dma_wait3A_53] : memref<98304x64xf32, #tpu.memory_space<hbm>> -> memref<128x64xf32, #tpu.memory_space<hbm>>
        tpu.wait_dma2 semaphore(%run_scoped3A : memref<!tpu.dma_semaphore, #tpu.memory_space<semaphore_mem>>) src(%arg6 : memref<128x64xf32, #tpu.memory_space<vmem>>) dst(%dma_wait3A_54 : memref<128x64xf32, #tpu.memory_space<hbm>>)
        tpu.yield
      }) : () -> ()
      %dma_wait3A_36 = arith.constant 0 : i32
      %dma_wait3A_37 = tpu.memref_slice %arg5[%add3A_21, %dma_wait3A_36] : memref<24x128xi32, #tpu.memory_space<vmem>> -> memref<1x128xi32, #tpu.memory_space<vmem>>
      %dma_wait3A_38 = tpu.memref_squeeze %dma_wait3A_37 : memref<1x128xi32, #tpu.memory_space<vmem>> -> memref<128xi32, #tpu.memory_space<vmem>>
      %dma_wait3A_39 = arith.constant 0 : i32
      %dma_wait3A_40 = arith.constant 0 : i32
      %dma_wait3A_41 = tpu.memref_slice %arg2[%dma_wait3A_39, %dma_wait3A_40] : memref<16384x64xf32, #tpu.memory_space<hbm>> -> memref<16384x64xf32, #tpu.memory_space<hbm>>
      tpu.wait_indirect_dma semaphore(%arg9 : memref<!tpu.dma_semaphore, #tpu.memory_space<semaphore_mem>>) src(%dma_wait3A_41 : memref<16384x64xf32, #tpu.memory_space<hbm>>) dst(%arg7 : memref<128x64xf32, #tpu.memory_space<vmem>>)
      %add3A_42 = arith.constant 1 : i32
      %add3A_43 = arith.addi %mul3A_14, %add3A_42 : i32
      %mul3A_44 = arith.constant 128 : i32
      %mul3A_45 = arith.muli %add3A_43, %mul3A_44 : i32
      %add3A_46 = arith.addi %mul3A_6, %mul3A_45 : i32
      "tpu.region"() ({
        %run_scoped3A = tpu.sem_alloc : memref<!tpu.dma_semaphore, #tpu.memory_space<semaphore_mem>>
        %dma_start3A_47 = arith.constant 0 : i32
        %dma_start3A_48 = tpu.memref_slice %arg4[%add3A_46, %dma_start3A_47] : memref<98304x64xf32, #tpu.memory_space<hbm>> -> memref<128x64xf32, #tpu.memory_space<hbm>>
        %dma_start3A_49 = arith.constant 0 : i32
        %dma_start3A_50 = tpu.memref_slice %arg4[%add3A_46, %dma_start3A_49] : memref<98304x64xf32, #tpu.memory_space<hbm>> -> memref<128x64xf32, #tpu.memory_space<hbm>>
        tpu.enqueue_dma source(%arg7 : memref<128x64xf32, #tpu.memory_space<vmem>>) target(%dma_start3A_50 : memref<128x64xf32, #tpu.memory_space<hbm>>) target_semaphore(%run_scoped3A : memref<!tpu.dma_semaphore, #tpu.memory_space<semaphore_mem>>)
        %dma_wait3A_51 = arith.constant 0 : i32
        %dma_wait3A_52 = tpu.memref_slice %arg4[%add3A_46, %dma_wait3A_51] : memref<98304x64xf32, #tpu.memory_space<hbm>> -> memref<128x64xf32, #tpu.memory_space<hbm>>
        %dma_wait3A_53 = arith.constant 0 : i32
        %dma_wait3A_54 = tpu.memref_slice %arg4[%add3A_46, %dma_wait3A_53] : memref<98304x64xf32, #tpu.memory_space<hbm>> -> memref<128x64xf32, #tpu.memory_space<hbm>>
        tpu.wait_dma2 semaphore(%run_scoped3A : memref<!tpu.dma_semaphore, #tpu.memory_space<semaphore_mem>>) src(%arg7 : memref<128x64xf32, #tpu.memory_space<vmem>>) dst(%dma_wait3A_54 : memref<128x64xf32, #tpu.memory_space<hbm>>)
        tpu.yield
      }) : () -> ()
    }
    %scan3A_11 = arith.constant 12 : i32
    return
  }
}

#map = affine_map<(d0, d1) -> (0, 0)>
module attributes {stable_mosaic.version = 14 : i64} {
  func.func @_sc_gather_body(%arg0: i32, %arg1: i32, %arg2: memref<16384x64xf32, #tpu.memory_space<hbm>>, %arg3: memref<768x128xi32, #tpu.memory_space<hbm>>, %arg4: memref<98304x64xf32, #tpu.memory_space<hbm>>, %arg5: memref<24x128xi32, #tpu.memory_space<vmem>>, %arg6: memref<128x64xf32, #tpu.memory_space<vmem>>, %arg7: memref<128x64xf32, #tpu.memory_space<vmem>>, %arg8: memref<!tpu.dma_semaphore, #tpu.memory_space<semaphore_mem>>, %arg9: memref<!tpu.dma_semaphore, #tpu.memory_space<semaphore_mem>>) attributes {dimension_semantics = [#tpu.dimension_semantics<core_parallel>, #tpu.dimension_semantics<subcore_parallel>], iteration_bounds = array<i64: 2, 16>, scalar_prefetch = 0 : i64, scratch_operands = 5 : i64, tpu.core_type = #tpu.core_type<sc_vector_subcore>, window_params = [{transform_indices = #map}, {transform_indices = #map}, {transform_indices = #map}]} {
    %mul3A = arith.constant 2 : i32
    %mul3A_0 = arith.muli %arg1, %mul3A : i32
    %add3A = arith.addi %mul3A_0, %arg0 : i32
    %mul3A_1 = arith.constant 24 : i32
    %mul3A_2 = arith.muli %add3A, %mul3A_1 : i32
    "tpu.region"() ({
      %run_scoped3A = tpu.sem_alloc : memref<!tpu.dma_semaphore, #tpu.memory_space<semaphore_mem>>
      %dma_start3A = arith.constant 0 : i32
      %dma_start3A_12 = tpu.memref_slice %arg3[%mul3A_2, %dma_start3A] : memref<768x128xi32, #tpu.memory_space<hbm>> -> memref<24x128xi32, #tpu.memory_space<hbm>>
      %dma_start3A_13 = arith.constant 0 : i32
      %dma_start3A_14 = tpu.memref_slice %arg3[%mul3A_2, %dma_start3A_13] : memref<768x128xi32, #tpu.memory_space<hbm>> -> memref<24x128xi32, #tpu.memory_space<hbm>>
      tpu.enqueue_dma source(%dma_start3A_14 : memref<24x128xi32, #tpu.memory_space<hbm>>) target(%arg5 : memref<24x128xi32, #tpu.memory_space<vmem>>) target_semaphore(%run_scoped3A : memref<!tpu.dma_semaphore, #tpu.memory_space<semaphore_mem>>)
      %dma_wait3A = arith.constant 0 : i32
      %dma_wait3A_15 = tpu.memref_slice %arg3[%mul3A_2, %dma_wait3A] : memref<768x128xi32, #tpu.memory_space<hbm>> -> memref<24x128xi32, #tpu.memory_space<hbm>>
      %dma_wait3A_16 = arith.constant 0 : i32
      %dma_wait3A_17 = tpu.memref_slice %arg3[%mul3A_2, %dma_wait3A_16] : memref<768x128xi32, #tpu.memory_space<hbm>> -> memref<24x128xi32, #tpu.memory_space<hbm>>
      tpu.wait_dma2 semaphore(%run_scoped3A : memref<!tpu.dma_semaphore, #tpu.memory_space<semaphore_mem>>) src(%dma_wait3A_17 : memref<24x128xi32, #tpu.memory_space<hbm>>) dst(%arg5 : memref<24x128xi32, #tpu.memory_space<vmem>>)
      tpu.yield
    }) : () -> ()
    %mul3A_3 = arith.constant 24 : i32
    %mul3A_4 = arith.muli %add3A, %mul3A_3 : i32
    %mul3A_5 = arith.constant 128 : i32
    %mul3A_6 = arith.muli %mul3A_4, %mul3A_5 : i32
    %scan3A = arith.constant 0 : i32
    %scan3A_7 = arith.constant 0 : i32
    %scan3A_8 = arith.constant 12 : i32
    %scan3A_9 = arith.addi %scan3A_7, %scan3A_8 : i32
    %scan3A_10 = arith.constant 1 : i32
    scf.for %scan3A_12 = %scan3A_7 to %scan3A_9 step %scan3A_10  : i32 {
      %mul3A_13 = arith.constant 2 : i32
      %mul3A_14 = arith.muli %scan3A_12, %mul3A_13 : i32
      %dma_start3A = arith.constant 0 : i32
      %dma_start3A_15 = tpu.memref_slice %arg5[%mul3A_14, %dma_start3A] : memref<24x128xi32, #tpu.memory_space<vmem>> -> memref<1x128xi32, #tpu.memory_space<vmem>>
      %dma_start3A_16 = tpu.memref_squeeze %dma_start3A_15 : memref<1x128xi32, #tpu.memory_space<vmem>> -> memref<128xi32, #tpu.memory_space<vmem>>
      %dma_start3A_17 = arith.constant 0 : i32
      %dma_start3A_18 = arith.constant 0 : i32
      %dma_start3A_19 = tpu.memref_slice %arg2[%dma_start3A_17, %dma_start3A_18] : memref<16384x64xf32, #tpu.memory_space<hbm>> -> memref<16384x64xf32, #tpu.memory_space<hbm>>
      tpu.enqueue_indirect_dma source(%dma_start3A_19 : memref<16384x64xf32, #tpu.memory_space<hbm>>) target(%arg6 : memref<128x64xf32, #tpu.memory_space<vmem>>) offsets(%dma_start3A_16 : memref<128xi32, #tpu.memory_space<vmem>>) semaphore(%arg8 : memref<!tpu.dma_semaphore, #tpu.memory_space<semaphore_mem>>)
      %add3A_20 = arith.constant 1 : i32
      %add3A_21 = arith.addi %mul3A_14, %add3A_20 : i32
      %dma_start3A_22 = arith.constant 0 : i32
      %dma_start3A_23 = tpu.memref_slice %arg5[%add3A_21, %dma_start3A_22] : memref<24x128xi32, #tpu.memory_space<vmem>> -> memref<1x128xi32, #tpu.memory_space<vmem>>
      %dma_start3A_24 = tpu.memref_squeeze %dma_start3A_23 : memref<1x128xi32, #tpu.memory_space<vmem>> -> memref<128xi32, #tpu.memory_space<vmem>>
      %dma_start3A_25 = arith.constant 0 : i32
      %dma_start3A_26 = arith.constant 0 : i32
      %dma_start3A_27 = tpu.memref_slice %arg2[%dma_start3A_25, %dma_start3A_26] : memref<16384x64xf32, #tpu.memory_space<hbm>> -> memref<16384x64xf32, #tpu.memory_space<hbm>>
      tpu.enqueue_indirect_dma source(%dma_start3A_27 : memref<16384x64xf32, #tpu.memory_space<hbm>>) target(%arg7 : memref<128x64xf32, #tpu.memory_space<vmem>>) offsets(%dma_start3A_24 : memref<128xi32, #tpu.memory_space<vmem>>) semaphore(%arg9 : memref<!tpu.dma_semaphore, #tpu.memory_space<semaphore_mem>>)
      %dma_wait3A = arith.constant 0 : i32
      %dma_wait3A_28 = tpu.memref_slice %arg5[%mul3A_14, %dma_wait3A] : memref<24x128xi32, #tpu.memory_space<vmem>> -> memref<1x128xi32, #tpu.memory_space<vmem>>
      %dma_wait3A_29 = tpu.memref_squeeze %dma_wait3A_28 : memref<1x128xi32, #tpu.memory_space<vmem>> -> memref<128xi32, #tpu.memory_space<vmem>>
      %dma_wait3A_30 = arith.constant 0 : i32
      %dma_wait3A_31 = arith.constant 0 : i32
      %dma_wait3A_32 = tpu.memref_slice %arg2[%dma_wait3A_30, %dma_wait3A_31] : memref<16384x64xf32, #tpu.memory_space<hbm>> -> memref<16384x64xf32, #tpu.memory_space<hbm>>
      tpu.wait_indirect_dma semaphore(%arg8 : memref<!tpu.dma_semaphore, #tpu.memory_space<semaphore_mem>>) src(%dma_wait3A_32 : memref<16384x64xf32, #tpu.memory_space<hbm>>) dst(%arg6 : memref<128x64xf32, #tpu.memory_space<vmem>>)
      %mul3A_33 = arith.constant 128 : i32
      %mul3A_34 = arith.muli %mul3A_14, %mul3A_33 : i32
      %add3A_35 = arith.addi %mul3A_6, %mul3A_34 : i32
      "tpu.region"() ({
        %run_scoped3A = tpu.sem_alloc : memref<!tpu.dma_semaphore, #tpu.memory_space<semaphore_mem>>
        %dma_start3A_47 = arith.constant 0 : i32
        %dma_start3A_48 = tpu.memref_slice %arg4[%add3A_35, %dma_start3A_47] : memref<98304x64xf32, #tpu.memory_space<hbm>> -> memref<128x64xf32, #tpu.memory_space<hbm>>
        %dma_start3A_49 = arith.constant 0 : i32
        %dma_start3A_50 = tpu.memref_slice %arg4[%add3A_35, %dma_start3A_49] : memref<98304x64xf32, #tpu.memory_space<hbm>> -> memref<128x64xf32, #tpu.memory_space<hbm>>
        tpu.enqueue_dma source(%arg6 : memref<128x64xf32, #tpu.memory_space<vmem>>) target(%dma_start3A_50 : memref<128x64xf32, #tpu.memory_space<hbm>>) target_semaphore(%run_scoped3A : memref<!tpu.dma_semaphore, #tpu.memory_space<semaphore_mem>>)
        %dma_wait3A_51 = arith.constant 0 : i32
        %dma_wait3A_52 = tpu.memref_slice %arg4[%add3A_35, %dma_wait3A_51] : memref<98304x64xf32, #tpu.memory_space<hbm>> -> memref<128x64xf32, #tpu.memory_space<hbm>>
        %dma_wait3A_53 = arith.constant 0 : i32
        %dma_wait3A_54 = tpu.memref_slice %arg4[%add3A_35, %dma_wait3A_53] : memref<98304x64xf32, #tpu.memory_space<hbm>> -> memref<128x64xf32, #tpu.memory_space<hbm>>
        tpu.wait_dma2 semaphore(%run_scoped3A : memref<!tpu.dma_semaphore, #tpu.memory_space<semaphore_mem>>) src(%arg6 : memref<128x64xf32, #tpu.memory_space<vmem>>) dst(%dma_wait3A_54 : memref<128x64xf32, #tpu.memory_space<hbm>>)
        tpu.yield
      }) : () -> ()
      %dma_wait3A_36 = arith.constant 0 : i32
      %dma_wait3A_37 = tpu.memref_slice %arg5[%add3A_21, %dma_wait3A_36] : memref<24x128xi32, #tpu.memory_space<vmem>> -> memref<1x128xi32, #tpu.memory_space<vmem>>
      %dma_wait3A_38 = tpu.memref_squeeze %dma_wait3A_37 : memref<1x128xi32, #tpu.memory_space<vmem>> -> memref<128xi32, #tpu.memory_space<vmem>>
      %dma_wait3A_39 = arith.constant 0 : i32
      %dma_wait3A_40 = arith.constant 0 : i32
      %dma_wait3A_41 = tpu.memref_slice %arg2[%dma_wait3A_39, %dma_wait3A_40] : memref<16384x64xf32, #tpu.memory_space<hbm>> -> memref<16384x64xf32, #tpu.memory_space<hbm>>
      tpu.wait_indirect_dma semaphore(%arg9 : memref<!tpu.dma_semaphore, #tpu.memory_space<semaphore_mem>>) src(%dma_wait3A_41 : memref<16384x64xf32, #tpu.memory_space<hbm>>) dst(%arg7 : memref<128x64xf32, #tpu.memory_space<vmem>>)
      %add3A_42 = arith.constant 1 : i32
      %add3A_43 = arith.addi %mul3A_14, %add3A_42 : i32
      %mul3A_44 = arith.constant 128 : i32
      %mul3A_45 = arith.muli %add3A_43, %mul3A_44 : i32
      %add3A_46 = arith.addi %mul3A_6, %mul3A_45 : i32
      "tpu.region"() ({
        %run_scoped3A = tpu.sem_alloc : memref<!tpu.dma_semaphore, #tpu.memory_space<semaphore_mem>>
        %dma_start3A_47 = arith.constant 0 : i32
        %dma_start3A_48 = tpu.memref_slice %arg4[%add3A_46, %dma_start3A_47] : memref<98304x64xf32, #tpu.memory_space<hbm>> -> memref<128x64xf32, #tpu.memory_space<hbm>>
        %dma_start3A_49 = arith.constant 0 : i32
        %dma_start3A_50 = tpu.memref_slice %arg4[%add3A_46, %dma_start3A_49] : memref<98304x64xf32, #tpu.memory_space<hbm>> -> memref<128x64xf32, #tpu.memory_space<hbm>>
        tpu.enqueue_dma source(%arg7 : memref<128x64xf32, #tpu.memory_space<vmem>>) target(%dma_start3A_50 : memref<128x64xf32, #tpu.memory_space<hbm>>) target_semaphore(%run_scoped3A : memref<!tpu.dma_semaphore, #tpu.memory_space<semaphore_mem>>)
        %dma_wait3A_51 = arith.constant 0 : i32
        %dma_wait3A_52 = tpu.memref_slice %arg4[%add3A_46, %dma_wait3A_51] : memref<98304x64xf32, #tpu.memory_space<hbm>> -> memref<128x64xf32, #tpu.memory_space<hbm>>
        %dma_wait3A_53 = arith.constant 0 : i32
        %dma_wait3A_54 = tpu.memref_slice %arg4[%add3A_46, %dma_wait3A_53] : memref<98304x64xf32, #tpu.memory_space<hbm>> -> memref<128x64xf32, #tpu.memory_space<hbm>>
        tpu.wait_dma2 semaphore(%run_scoped3A : memref<!tpu.dma_semaphore, #tpu.memory_space<semaphore_mem>>) src(%arg7 : memref<128x64xf32, #tpu.memory_space<vmem>>) dst(%dma_wait3A_54 : memref<128x64xf32, #tpu.memory_space<hbm>>)
        tpu.yield
      }) : () -> ()
    }
    %scan3A_11 = arith.constant 12 : i32
    return
  }
}

module attributes {stable_mosaic.version = 14 : i64} {
  func.func @_knn_body(%arg0: i32, %arg1: memref<512x3xf32, #tpu.memory_space<vmem>>, %arg2: memref<1x3x4096xf32, #tpu.memory_space<vmem>>, %arg3: memref<1x4096xf32, #tpu.memory_space<vmem>>, %arg4: memref<3x512xi32, #tpu.memory_space<vmem>>, %arg5: memref<3x512xf32, #tpu.memory_space<vmem>>) attributes {dimension_semantics = [#tpu.dimension_semantics<arbitrary>], iteration_bounds = array<i64: 64>, scalar_prefetch = 0 : i64, scratch_operands = 0 : i64, tpu.core_type = #tpu.core_type<tc>, window_params = [{transform_indices = @transform_0, window_bounds = array<i64: 512, 3>}, {transform_indices = @transform_1, window_bounds = array<i64: 1, 3, 4096>}, {pipeline_mode = #tpu.pipeline_mode<synchronous>, transform_indices = @transform_2, window_bounds = array<i64: 1, 4096>}, {transform_indices = @transform_3, window_bounds = array<i64: 3, 512>}, {transform_indices = @transform_4, window_bounds = array<i64: 3, 512>}]} {
    %jit3A = arith.constant 32 : i32
    %div3A = arith.divsi %arg0, %jit3A : i32
    %sign3A = arith.constant 0 : i32
    %sign3A_0 = arith.cmpi sgt, %arg0, %sign3A : i32
    %sign3A_1 = arith.extui %sign3A_0 : i1 to i32
    %sign3A_2 = arith.constant 0 : i32
    %sign3A_3 = arith.cmpi slt, %arg0, %sign3A_2 : i32
    %sign3A_4 = arith.extui %sign3A_3 : i1 to i32
    %sign3A_5 = arith.subi %sign3A_1, %sign3A_4 : i32
    %sign3A_6 = arith.constant 0 : i32
    %sign3A_7 = arith.cmpi sgt, %jit3A, %sign3A_6 : i32
    %sign3A_8 = arith.extui %sign3A_7 : i1 to i32
    %sign3A_9 = arith.constant 0 : i32
    %sign3A_10 = arith.cmpi slt, %jit3A, %sign3A_9 : i32
    %sign3A_11 = arith.extui %sign3A_10 : i1 to i32
    %sign3A_12 = arith.subi %sign3A_8, %sign3A_11 : i32
    %ne3A = arith.cmpi ne, %sign3A_5, %sign3A_12 : i32
    %rem3A = arith.remsi %arg0, %jit3A : i32
    %ne3A_13 = arith.constant 0 : i32
    %ne3A_14 = arith.cmpi ne, %rem3A, %ne3A_13 : i32
    %and3A = arith.andi %ne3A, %ne3A_14 : i1
    %sub3A = arith.constant 1 : i32
    %sub3A_15 = arith.subi %div3A, %sub3A : i32
    %select_n3A = arith.select %and3A, %sub3A_15, %div3A : i32
    %add3A = arith.constant 0 : i32
    %add3A_16 = arith.addi %add3A, %select_n3A : i32
    %get3A = arith.constant 0 : index
    %get3A_17 = arith.constant 0 : index
    %get3A_18 = vector.load %arg1[%get3A, %get3A_17] : memref<512x3xf32, #tpu.memory_space<vmem>>, vector<512x3xf32>
    %get3A_19 = arith.constant 0 : index
    %get3A_20 = arith.constant 0 : index
    %get3A_21 = arith.constant 0 : index
    %get3A_22 = vector.load %arg2[%get3A_19, %get3A_20, %get3A_21] : memref<1x3x4096xf32, #tpu.memory_space<vmem>>, vector<1x3x4096xf32>
    %get3A_23 = vector.shape_cast %get3A_22 : vector<1x3x4096xf32> to vector<3x4096xf32>
    %get3A_24 = arith.constant 0 : index
    %get3A_25 = arith.constant 0 : index
    %get3A_26 = vector.load %arg3[%get3A_24, %get3A_25] : memref<1x4096xf32, #tpu.memory_space<vmem>>, vector<1x4096xf32>
    %slice3A = vector.extract_strided_slice %get3A_23 {offsets = [0, 0], sizes = [1, 4096], strides = [1, 1]} : vector<3x4096xf32> to vector<1x4096xf32>
    %slice3A_27 = vector.extract_strided_slice %get3A_23 {offsets = [0, 0], sizes = [1, 4096], strides = [1, 1]} : vector<3x4096xf32> to vector<1x4096xf32>
    %mul3A = arith.mulf %slice3A, %slice3A_27 : vector<1x4096xf32>
    %slice3A_28 = vector.extract_strided_slice %get3A_23 {offsets = [1, 0], sizes = [1, 4096], strides = [1, 1]} : vector<3x4096xf32> to vector<1x4096xf32>
    %slice3A_29 = vector.extract_strided_slice %get3A_23 {offsets = [1, 0], sizes = [1, 4096], strides = [1, 1]} : vector<3x4096xf32> to vector<1x4096xf32>
    %mul3A_30 = arith.mulf %slice3A_28, %slice3A_29 : vector<1x4096xf32>
    %add3A_31 = arith.addf %mul3A, %mul3A_30 : vector<1x4096xf32>
    %slice3A_32 = vector.extract_strided_slice %get3A_23 {offsets = [2, 0], sizes = [1, 4096], strides = [1, 1]} : vector<3x4096xf32> to vector<1x4096xf32>
    %slice3A_33 = vector.extract_strided_slice %get3A_23 {offsets = [2, 0], sizes = [1, 4096], strides = [1, 1]} : vector<3x4096xf32> to vector<1x4096xf32>
    %mul3A_34 = arith.mulf %slice3A_32, %slice3A_33 : vector<1x4096xf32>
    %add3A_35 = arith.addf %add3A_31, %mul3A_34 : vector<1x4096xf32>
    %mul3A_36 = arith.constant -2.000000e+00 : f32
    %mul3A_37 = vector.broadcast %mul3A_36 : f32 to vector<512x3xf32>
    %mul3A_38 = arith.mulf %mul3A_37, %get3A_18 : vector<512x3xf32>
    %slice3A_39 = vector.extract_strided_slice %mul3A_38 {offsets = [0, 0], sizes = [512, 1], strides = [1, 1]} : vector<512x3xf32> to vector<512x1xf32>
    %slice3A_40 = vector.extract_strided_slice %get3A_23 {offsets = [0, 0], sizes = [1, 4096], strides = [1, 1]} : vector<3x4096xf32> to vector<1x4096xf32>
    %mul3A_41 = vector.broadcast %slice3A_39 : vector<512x1xf32> to vector<512x4096xf32>
    %mul3A_42 = vector.broadcast %slice3A_40 : vector<1x4096xf32> to vector<512x4096xf32>
    %mul3A_43 = arith.mulf %mul3A_41, %mul3A_42 : vector<512x4096xf32>
    %add3A_44 = vector.broadcast %add3A_35 : vector<1x4096xf32> to vector<512x4096xf32>
    %add3A_45 = arith.addf %add3A_44, %mul3A_43 : vector<512x4096xf32>
    %slice3A_46 = vector.extract_strided_slice %mul3A_38 {offsets = [0, 1], sizes = [512, 1], strides = [1, 1]} : vector<512x3xf32> to vector<512x1xf32>
    %slice3A_47 = vector.extract_strided_slice %get3A_23 {offsets = [1, 0], sizes = [1, 4096], strides = [1, 1]} : vector<3x4096xf32> to vector<1x4096xf32>
    %mul3A_48 = vector.broadcast %slice3A_46 : vector<512x1xf32> to vector<512x4096xf32>
    %mul3A_49 = vector.broadcast %slice3A_47 : vector<1x4096xf32> to vector<512x4096xf32>
    %mul3A_50 = arith.mulf %mul3A_48, %mul3A_49 : vector<512x4096xf32>
    %add3A_51 = arith.addf %add3A_45, %mul3A_50 : vector<512x4096xf32>
    %slice3A_52 = vector.extract_strided_slice %mul3A_38 {offsets = [0, 2], sizes = [512, 1], strides = [1, 1]} : vector<512x3xf32> to vector<512x1xf32>
    %slice3A_53 = vector.extract_strided_slice %get3A_23 {offsets = [2, 0], sizes = [1, 4096], strides = [1, 1]} : vector<3x4096xf32> to vector<1x4096xf32>
    %mul3A_54 = vector.broadcast %slice3A_52 : vector<512x1xf32> to vector<512x4096xf32>
    %mul3A_55 = vector.broadcast %slice3A_53 : vector<1x4096xf32> to vector<512x4096xf32>
    %mul3A_56 = arith.mulf %mul3A_54, %mul3A_55 : vector<512x4096xf32>
    %add3A_57 = arith.addf %add3A_51, %mul3A_56 : vector<512x4096xf32>
    %mul3A_58 = arith.mulf %get3A_18, %get3A_18 : vector<512x3xf32>
    %reduce_sum3A = arith.constant dense<0.000000e+00> : vector<512xf32>
    %reduce_sum3A_59 = vector.multi_reduction <add>, %mul3A_58, %reduce_sum3A [1] : vector<512x3xf32> to vector<512xf32>
    %broadcast_in_dim3A = vector.shape_cast %reduce_sum3A_59 : vector<512xf32> to vector<512x1xf32>
    %reduce_min3A = arith.constant dense<0x7F800000> : vector<512xf32>
    %reduce_min3A_60 = vector.multi_reduction <minimumf>, %add3A_57, %reduce_min3A [1] : vector<512x4096xf32> to vector<512xf32>
    %broadcast_in_dim3A_61 = vector.shape_cast %reduce_min3A_60 : vector<512xf32> to vector<512x1xf32>
    %eq3A = vector.broadcast %broadcast_in_dim3A_61 : vector<512x1xf32> to vector<512x4096xf32>
    %eq3A_62 = arith.cmpf oeq, %add3A_57, %eq3A : vector<512x4096xf32>
    %jit3A_63 = arith.constant 4.096000e+03 : f32
    %broadcast_in_dim3A_64 = vector.shape_cast %get3A_26 : vector<1x4096xf32> to vector<1x4096xf32>
    %broadcast_in_dim3A_65 = vector.broadcast %broadcast_in_dim3A_64 : vector<1x4096xf32> to vector<512x4096xf32>
    %broadcast_in_dim3A_66 = vector.broadcast %jit3A_63 : f32 to vector<512x4096xf32>
    %select_n3A_67 = arith.select %eq3A_62, %broadcast_in_dim3A_65, %broadcast_in_dim3A_66 : vector<512x4096xi1>, vector<512x4096xf32>
    %reduce_min3A_68 = arith.constant dense<0x7F800000> : vector<512xf32>
    %reduce_min3A_69 = vector.multi_reduction <minimumf>, %select_n3A_67, %reduce_min3A_68 [1] : vector<512x4096xf32> to vector<512xf32>
    %broadcast_in_dim3A_70 = vector.shape_cast %reduce_min3A_69 : vector<512xf32> to vector<512x1xf32>
    %jit3A_71 = arith.constant 1.000000e+30 : f32
    %broadcast_in_dim3A_72 = vector.broadcast %jit3A_71 : f32 to vector<512x4096xf32>
    %select_n3A_73 = arith.select %eq3A_62, %broadcast_in_dim3A_72, %add3A_57 : vector<512x4096xi1>, vector<512x4096xf32>
    %add3A_74 = arith.addf %broadcast_in_dim3A_61, %broadcast_in_dim3A : vector<512x1xf32>
    %max3A = arith.constant 0.000000e+00 : f32
    %max3A_75 = vector.broadcast %max3A : f32 to vector<512x1xf32>
    %max3A_76 = arith.maximumf %add3A_74, %max3A_75 : vector<512x1xf32>
    %sqrt3A = math.sqrt %max3A_76 : vector<512x1xf32>
    %add3A_77 = arith.constant 9.99999993E-9 : f32
    %add3A_78 = vector.broadcast %add3A_77 : f32 to vector<512x1xf32>
    %add3A_79 = arith.addf %sqrt3A, %add3A_78 : vector<512x1xf32>
    %div3A_80 = arith.constant 1.000000e+00 : f32
    %div3A_81 = vector.broadcast %div3A_80 : f32 to vector<512x1xf32>
    %div3A_82 = arith.divf %div3A_81, %add3A_79 : vector<512x1xf32>
    %reduce_min3A_83 = arith.constant dense<0x7F800000> : vector<512xf32>
    %reduce_min3A_84 = vector.multi_reduction <minimumf>, %select_n3A_73, %reduce_min3A_83 [1] : vector<512x4096xf32> to vector<512xf32>
    %broadcast_in_dim3A_85 = vector.shape_cast %reduce_min3A_84 : vector<512xf32> to vector<512x1xf32>
    %eq3A_86 = vector.broadcast %broadcast_in_dim3A_85 : vector<512x1xf32> to vector<512x4096xf32>
    %eq3A_87 = arith.cmpf oeq, %select_n3A_73, %eq3A_86 : vector<512x4096xf32>
    %jit3A_88 = arith.constant 4.096000e+03 : f32
    %broadcast_in_dim3A_89 = vector.shape_cast %get3A_26 : vector<1x4096xf32> to vector<1x4096xf32>
    %broadcast_in_dim3A_90 = vector.broadcast %broadcast_in_dim3A_89 : vector<1x4096xf32> to vector<512x4096xf32>
    %broadcast_in_dim3A_91 = vector.broadcast %jit3A_88 : f32 to vector<512x4096xf32>
    %select_n3A_92 = arith.select %eq3A_87, %broadcast_in_dim3A_90, %broadcast_in_dim3A_91 : vector<512x4096xi1>, vector<512x4096xf32>
    %reduce_min3A_93 = arith.constant dense<0x7F800000> : vector<512xf32>
    %reduce_min3A_94 = vector.multi_reduction <minimumf>, %select_n3A_92, %reduce_min3A_93 [1] : vector<512x4096xf32> to vector<512xf32>
    %broadcast_in_dim3A_95 = vector.shape_cast %reduce_min3A_94 : vector<512xf32> to vector<512x1xf32>
    %jit3A_96 = arith.constant 1.000000e+30 : f32
    %broadcast_in_dim3A_97 = vector.broadcast %jit3A_96 : f32 to vector<512x4096xf32>
    %select_n3A_98 = arith.select %eq3A_87, %broadcast_in_dim3A_97, %select_n3A_73 : vector<512x4096xi1>, vector<512x4096xf32>
    %add3A_99 = arith.addf %broadcast_in_dim3A_85, %broadcast_in_dim3A : vector<512x1xf32>
    %max3A_100 = arith.constant 0.000000e+00 : f32
    %max3A_101 = vector.broadcast %max3A_100 : f32 to vector<512x1xf32>
    %max3A_102 = arith.maximumf %add3A_99, %max3A_101 : vector<512x1xf32>
    %sqrt3A_103 = math.sqrt %max3A_102 : vector<512x1xf32>
    %add3A_104 = arith.constant 9.99999993E-9 : f32
    %add3A_105 = vector.broadcast %add3A_104 : f32 to vector<512x1xf32>
    %add3A_106 = arith.addf %sqrt3A_103, %add3A_105 : vector<512x1xf32>
    %div3A_107 = arith.constant 1.000000e+00 : f32
    %div3A_108 = vector.broadcast %div3A_107 : f32 to vector<512x1xf32>
    %div3A_109 = arith.divf %div3A_108, %add3A_106 : vector<512x1xf32>
    %reduce_min3A_110 = arith.constant dense<0x7F800000> : vector<512xf32>
    %reduce_min3A_111 = vector.multi_reduction <minimumf>, %select_n3A_98, %reduce_min3A_110 [1] : vector<512x4096xf32> to vector<512xf32>
    %broadcast_in_dim3A_112 = vector.shape_cast %reduce_min3A_111 : vector<512xf32> to vector<512x1xf32>
    %eq3A_113 = vector.broadcast %broadcast_in_dim3A_112 : vector<512x1xf32> to vector<512x4096xf32>
    %eq3A_114 = arith.cmpf oeq, %select_n3A_98, %eq3A_113 : vector<512x4096xf32>
    %jit3A_115 = arith.constant 4.096000e+03 : f32
    %broadcast_in_dim3A_116 = vector.shape_cast %get3A_26 : vector<1x4096xf32> to vector<1x4096xf32>
    %broadcast_in_dim3A_117 = vector.broadcast %broadcast_in_dim3A_116 : vector<1x4096xf32> to vector<512x4096xf32>
    %broadcast_in_dim3A_118 = vector.broadcast %jit3A_115 : f32 to vector<512x4096xf32>
    %select_n3A_119 = arith.select %eq3A_114, %broadcast_in_dim3A_117, %broadcast_in_dim3A_118 : vector<512x4096xi1>, vector<512x4096xf32>
    %reduce_min3A_120 = arith.constant dense<0x7F800000> : vector<512xf32>
    %reduce_min3A_121 = vector.multi_reduction <minimumf>, %select_n3A_119, %reduce_min3A_120 [1] : vector<512x4096xf32> to vector<512xf32>
    %broadcast_in_dim3A_122 = vector.shape_cast %reduce_min3A_121 : vector<512xf32> to vector<512x1xf32>
    %add3A_123 = arith.addf %broadcast_in_dim3A_112, %broadcast_in_dim3A : vector<512x1xf32>
    %max3A_124 = arith.constant 0.000000e+00 : f32
    %max3A_125 = vector.broadcast %max3A_124 : f32 to vector<512x1xf32>
    %max3A_126 = arith.maximumf %add3A_123, %max3A_125 : vector<512x1xf32>
    %sqrt3A_127 = math.sqrt %max3A_126 : vector<512x1xf32>
    %add3A_128 = arith.constant 9.99999993E-9 : f32
    %add3A_129 = vector.broadcast %add3A_128 : f32 to vector<512x1xf32>
    %add3A_130 = arith.addf %sqrt3A_127, %add3A_129 : vector<512x1xf32>
    %div3A_131 = arith.constant 1.000000e+00 : f32
    %div3A_132 = vector.broadcast %div3A_131 : f32 to vector<512x1xf32>
    %div3A_133 = arith.divf %div3A_132, %add3A_130 : vector<512x1xf32>
    %add3A_134 = arith.addf %div3A_82, %div3A_109 : vector<512x1xf32>
    %add3A_135 = arith.addf %add3A_134, %div3A_133 : vector<512x1xf32>
    %concatenate3A = tpu.concatenate %div3A_82, %div3A_109, %div3A_133 in 1 : vector<512x1xf32>, vector<512x1xf32>, vector<512x1xf32> -> vector<512x3xf32>
    %div3A_136 = vector.broadcast %add3A_135 : vector<512x1xf32> to vector<512x3xf32>
    %div3A_137 = arith.divf %concatenate3A, %div3A_136 : vector<512x3xf32>
    %transpose3A = tpu.transpose %div3A_137, [1, 0] : vector<512x3xf32> -> vector<3x512xf32>
    %swap3A = arith.constant 0 : index
    %swap3A_138 = arith.constant 0 : index
    %swap3A_139 = vector.load %arg5[%swap3A, %swap3A_138] : memref<3x512xf32, #tpu.memory_space<vmem>>, vector<3x512xf32>
    tpu.vector_store %arg5[%swap3A, %swap3A_138], %transpose3A {strides = array<i32>} : memref<3x512xf32, #tpu.memory_space<vmem>>, vector<3x512xf32>,
    %concatenate3A_140 = tpu.concatenate %broadcast_in_dim3A_70, %broadcast_in_dim3A_95, %broadcast_in_dim3A_122 in 1 : vector<512x1xf32>, vector<512x1xf32>, vector<512x1xf32> -> vector<512x3xf32>
    %transpose3A_141 = tpu.transpose %concatenate3A_140, [1, 0] : vector<512x3xf32> -> vector<3x512xf32>
    %convert_element_type3A = arith.fptosi %transpose3A_141 : vector<3x512xf32> to vector<3x512xi32>
    %mul3A_142 = arith.constant 4096 : i32
    %mul3A_143 = arith.muli %add3A_16, %mul3A_142 : i32
    %add3A_144 = vector.broadcast %mul3A_143 : i32 to vector<3x512xi32>
    %add3A_145 = arith.addi %convert_element_type3A, %add3A_144 : vector<3x512xi32>
    %swap3A_146 = arith.constant 0 : index
    %swap3A_147 = arith.constant 0 : index
    %swap3A_148 = vector.load %arg4[%swap3A_146, %swap3A_147] : memref<3x512xi32, #tpu.memory_space<vmem>>, vector<3x512xi32>
    tpu.vector_store %arg4[%swap3A_146, %swap3A_147], %add3A_145 {strides = array<i32>} : memref<3x512xi32, #tpu.memory_space<vmem>>, vector<3x512xi32>,
    return
  }
  func.func @transform_0(%arg0: i32) -> (i32, i32) {
    %c0_i32 = arith.constant 0 : i32
    %c0_i32_0 = arith.constant 0 : i32
    return %arg0, %c0_i32 : i32, i32
  }
  func.func @transform_1(%arg0: i32) -> (i32, i32, i32) {
    %jit3A = arith.constant 32 : i32
    %div3A = arith.divsi %arg0, %jit3A : i32
    %sign3A = arith.constant 0 : i32
    %sign3A_0 = arith.cmpi sgt, %arg0, %sign3A : i32
    %sign3A_1 = arith.extui %sign3A_0 : i1 to i32
    %sign3A_2 = arith.constant 0 : i32
    %sign3A_3 = arith.cmpi slt, %arg0, %sign3A_2 : i32
    %sign3A_4 = arith.extui %sign3A_3 : i1 to i32
    %sign3A_5 = arith.subi %sign3A_1, %sign3A_4 : i32
    %sign3A_6 = arith.constant 0 : i32
    %sign3A_7 = arith.cmpi sgt, %jit3A, %sign3A_6 : i32
    %sign3A_8 = arith.extui %sign3A_7 : i1 to i32
    %sign3A_9 = arith.constant 0 : i32
    %sign3A_10 = arith.cmpi slt, %jit3A, %sign3A_9 : i32
    %sign3A_11 = arith.extui %sign3A_10 : i1 to i32
    %sign3A_12 = arith.subi %sign3A_8, %sign3A_11 : i32
    %ne3A = arith.cmpi ne, %sign3A_5, %sign3A_12 : i32
    %rem3A = arith.remsi %arg0, %jit3A : i32
    %ne3A_13 = arith.constant 0 : i32
    %ne3A_14 = arith.cmpi ne, %rem3A, %ne3A_13 : i32
    %and3A = arith.andi %ne3A, %ne3A_14 : i1
    %sub3A = arith.constant 1 : i32
    %sub3A_15 = arith.subi %div3A, %sub3A : i32
    %select_n3A = arith.select %and3A, %sub3A_15, %div3A : i32
    %c0_i32 = arith.constant 0 : i32
    %c0_i32_16 = arith.constant 0 : i32
    %c0_i32_17 = arith.constant 0 : i32
    return %select_n3A, %c0_i32, %c0_i32_16 : i32, i32, i32
  }
  func.func @transform_2(%arg0: i32) -> (i32, i32) {
    %c0_i32 = arith.constant 0 : i32
    %c0_i32_0 = arith.constant 0 : i32
    %c0_i32_1 = arith.constant 0 : i32
    return %c0_i32, %c0_i32_0 : i32, i32
  }
  func.func @transform_3(%arg0: i32) -> (i32, i32) {
    %c0_i32 = arith.constant 0 : i32
    %c0_i32_0 = arith.constant 0 : i32
    return %c0_i32, %arg0 : i32, i32
  }
  func.func @transform_4(%arg0: i32) -> (i32, i32) {
    %c0_i32 = arith.constant 0 : i32
    %c0_i32_0 = arith.constant 0 : i32
    return %c0_i32, %arg0 : i32, i32
  }
}

module attributes {stable_mosaic.version = 14 : i64} {
  func.func @_knn_body(%arg0: i32, %arg1: memref<512x3xf32, #tpu.memory_space<vmem>>, %arg2: memref<1x3x4096xf32, #tpu.memory_space<vmem>>, %arg3: memref<1x4096xf32, #tpu.memory_space<vmem>>, %arg4: memref<3x512xi32, #tpu.memory_space<vmem>>, %arg5: memref<3x512xf32, #tpu.memory_space<vmem>>) attributes {dimension_semantics = [#tpu.dimension_semantics<arbitrary>], iteration_bounds = array<i64: 64>, scalar_prefetch = 0 : i64, scratch_operands = 0 : i64, tpu.core_type = #tpu.core_type<tc>, window_params = [{transform_indices = @transform_0, window_bounds = array<i64: 512, 3>}, {transform_indices = @transform_1, window_bounds = array<i64: 1, 3, 4096>}, {pipeline_mode = #tpu.pipeline_mode<synchronous>, transform_indices = @transform_2, window_bounds = array<i64: 1, 4096>}, {transform_indices = @transform_3, window_bounds = array<i64: 3, 512>}, {transform_indices = @transform_4, window_bounds = array<i64: 3, 512>}]} {
    %jit3A = arith.constant 32 : i32
    %div3A = arith.divsi %arg0, %jit3A : i32
    %sign3A = arith.constant 0 : i32
    %sign3A_0 = arith.cmpi sgt, %arg0, %sign3A : i32
    %sign3A_1 = arith.extui %sign3A_0 : i1 to i32
    %sign3A_2 = arith.constant 0 : i32
    %sign3A_3 = arith.cmpi slt, %arg0, %sign3A_2 : i32
    %sign3A_4 = arith.extui %sign3A_3 : i1 to i32
    %sign3A_5 = arith.subi %sign3A_1, %sign3A_4 : i32
    %sign3A_6 = arith.constant 0 : i32
    %sign3A_7 = arith.cmpi sgt, %jit3A, %sign3A_6 : i32
    %sign3A_8 = arith.extui %sign3A_7 : i1 to i32
    %sign3A_9 = arith.constant 0 : i32
    %sign3A_10 = arith.cmpi slt, %jit3A, %sign3A_9 : i32
    %sign3A_11 = arith.extui %sign3A_10 : i1 to i32
    %sign3A_12 = arith.subi %sign3A_8, %sign3A_11 : i32
    %ne3A = arith.cmpi ne, %sign3A_5, %sign3A_12 : i32
    %rem3A = arith.remsi %arg0, %jit3A : i32
    %ne3A_13 = arith.constant 0 : i32
    %ne3A_14 = arith.cmpi ne, %rem3A, %ne3A_13 : i32
    %and3A = arith.andi %ne3A, %ne3A_14 : i1
    %sub3A = arith.constant 1 : i32
    %sub3A_15 = arith.subi %div3A, %sub3A : i32
    %select_n3A = arith.select %and3A, %sub3A_15, %div3A : i32
    %add3A = arith.constant 2 : i32
    %add3A_16 = arith.addi %add3A, %select_n3A : i32
    %get3A = arith.constant 0 : index
    %get3A_17 = arith.constant 0 : index
    %get3A_18 = vector.load %arg1[%get3A, %get3A_17] : memref<512x3xf32, #tpu.memory_space<vmem>>, vector<512x3xf32>
    %get3A_19 = arith.constant 0 : index
    %get3A_20 = arith.constant 0 : index
    %get3A_21 = arith.constant 0 : index
    %get3A_22 = vector.load %arg2[%get3A_19, %get3A_20, %get3A_21] : memref<1x3x4096xf32, #tpu.memory_space<vmem>>, vector<1x3x4096xf32>
    %get3A_23 = vector.shape_cast %get3A_22 : vector<1x3x4096xf32> to vector<3x4096xf32>
    %get3A_24 = arith.constant 0 : index
    %get3A_25 = arith.constant 0 : index
    %get3A_26 = vector.load %arg3[%get3A_24, %get3A_25] : memref<1x4096xf32, #tpu.memory_space<vmem>>, vector<1x4096xf32>
    %slice3A = vector.extract_strided_slice %get3A_23 {offsets = [0, 0], sizes = [1, 4096], strides = [1, 1]} : vector<3x4096xf32> to vector<1x4096xf32>
    %slice3A_27 = vector.extract_strided_slice %get3A_23 {offsets = [0, 0], sizes = [1, 4096], strides = [1, 1]} : vector<3x4096xf32> to vector<1x4096xf32>
    %mul3A = arith.mulf %slice3A, %slice3A_27 : vector<1x4096xf32>
    %slice3A_28 = vector.extract_strided_slice %get3A_23 {offsets = [1, 0], sizes = [1, 4096], strides = [1, 1]} : vector<3x4096xf32> to vector<1x4096xf32>
    %slice3A_29 = vector.extract_strided_slice %get3A_23 {offsets = [1, 0], sizes = [1, 4096], strides = [1, 1]} : vector<3x4096xf32> to vector<1x4096xf32>
    %mul3A_30 = arith.mulf %slice3A_28, %slice3A_29 : vector<1x4096xf32>
    %add3A_31 = arith.addf %mul3A, %mul3A_30 : vector<1x4096xf32>
    %slice3A_32 = vector.extract_strided_slice %get3A_23 {offsets = [2, 0], sizes = [1, 4096], strides = [1, 1]} : vector<3x4096xf32> to vector<1x4096xf32>
    %slice3A_33 = vector.extract_strided_slice %get3A_23 {offsets = [2, 0], sizes = [1, 4096], strides = [1, 1]} : vector<3x4096xf32> to vector<1x4096xf32>
    %mul3A_34 = arith.mulf %slice3A_32, %slice3A_33 : vector<1x4096xf32>
    %add3A_35 = arith.addf %add3A_31, %mul3A_34 : vector<1x4096xf32>
    %mul3A_36 = arith.constant -2.000000e+00 : f32
    %mul3A_37 = vector.broadcast %mul3A_36 : f32 to vector<512x3xf32>
    %mul3A_38 = arith.mulf %mul3A_37, %get3A_18 : vector<512x3xf32>
    %slice3A_39 = vector.extract_strided_slice %mul3A_38 {offsets = [0, 0], sizes = [512, 1], strides = [1, 1]} : vector<512x3xf32> to vector<512x1xf32>
    %slice3A_40 = vector.extract_strided_slice %get3A_23 {offsets = [0, 0], sizes = [1, 4096], strides = [1, 1]} : vector<3x4096xf32> to vector<1x4096xf32>
    %mul3A_41 = vector.broadcast %slice3A_39 : vector<512x1xf32> to vector<512x4096xf32>
    %mul3A_42 = vector.broadcast %slice3A_40 : vector<1x4096xf32> to vector<512x4096xf32>
    %mul3A_43 = arith.mulf %mul3A_41, %mul3A_42 : vector<512x4096xf32>
    %add3A_44 = vector.broadcast %add3A_35 : vector<1x4096xf32> to vector<512x4096xf32>
    %add3A_45 = arith.addf %add3A_44, %mul3A_43 : vector<512x4096xf32>
    %slice3A_46 = vector.extract_strided_slice %mul3A_38 {offsets = [0, 1], sizes = [512, 1], strides = [1, 1]} : vector<512x3xf32> to vector<512x1xf32>
    %slice3A_47 = vector.extract_strided_slice %get3A_23 {offsets = [1, 0], sizes = [1, 4096], strides = [1, 1]} : vector<3x4096xf32> to vector<1x4096xf32>
    %mul3A_48 = vector.broadcast %slice3A_46 : vector<512x1xf32> to vector<512x4096xf32>
    %mul3A_49 = vector.broadcast %slice3A_47 : vector<1x4096xf32> to vector<512x4096xf32>
    %mul3A_50 = arith.mulf %mul3A_48, %mul3A_49 : vector<512x4096xf32>
    %add3A_51 = arith.addf %add3A_45, %mul3A_50 : vector<512x4096xf32>
    %slice3A_52 = vector.extract_strided_slice %mul3A_38 {offsets = [0, 2], sizes = [512, 1], strides = [1, 1]} : vector<512x3xf32> to vector<512x1xf32>
    %slice3A_53 = vector.extract_strided_slice %get3A_23 {offsets = [2, 0], sizes = [1, 4096], strides = [1, 1]} : vector<3x4096xf32> to vector<1x4096xf32>
    %mul3A_54 = vector.broadcast %slice3A_52 : vector<512x1xf32> to vector<512x4096xf32>
    %mul3A_55 = vector.broadcast %slice3A_53 : vector<1x4096xf32> to vector<512x4096xf32>
    %mul3A_56 = arith.mulf %mul3A_54, %mul3A_55 : vector<512x4096xf32>
    %add3A_57 = arith.addf %add3A_51, %mul3A_56 : vector<512x4096xf32>
    %mul3A_58 = arith.mulf %get3A_18, %get3A_18 : vector<512x3xf32>
    %reduce_sum3A = arith.constant dense<0.000000e+00> : vector<512xf32>
    %reduce_sum3A_59 = vector.multi_reduction <add>, %mul3A_58, %reduce_sum3A [1] : vector<512x3xf32> to vector<512xf32>
    %broadcast_in_dim3A = vector.shape_cast %reduce_sum3A_59 : vector<512xf32> to vector<512x1xf32>
    %reduce_min3A = arith.constant dense<0x7F800000> : vector<512xf32>
    %reduce_min3A_60 = vector.multi_reduction <minimumf>, %add3A_57, %reduce_min3A [1] : vector<512x4096xf32> to vector<512xf32>
    %broadcast_in_dim3A_61 = vector.shape_cast %reduce_min3A_60 : vector<512xf32> to vector<512x1xf32>
    %eq3A = vector.broadcast %broadcast_in_dim3A_61 : vector<512x1xf32> to vector<512x4096xf32>
    %eq3A_62 = arith.cmpf oeq, %add3A_57, %eq3A : vector<512x4096xf32>
    %jit3A_63 = arith.constant 4.096000e+03 : f32
    %broadcast_in_dim3A_64 = vector.shape_cast %get3A_26 : vector<1x4096xf32> to vector<1x4096xf32>
    %broadcast_in_dim3A_65 = vector.broadcast %broadcast_in_dim3A_64 : vector<1x4096xf32> to vector<512x4096xf32>
    %broadcast_in_dim3A_66 = vector.broadcast %jit3A_63 : f32 to vector<512x4096xf32>
    %select_n3A_67 = arith.select %eq3A_62, %broadcast_in_dim3A_65, %broadcast_in_dim3A_66 : vector<512x4096xi1>, vector<512x4096xf32>
    %reduce_min3A_68 = arith.constant dense<0x7F800000> : vector<512xf32>
    %reduce_min3A_69 = vector.multi_reduction <minimumf>, %select_n3A_67, %reduce_min3A_68 [1] : vector<512x4096xf32> to vector<512xf32>
    %broadcast_in_dim3A_70 = vector.shape_cast %reduce_min3A_69 : vector<512xf32> to vector<512x1xf32>
    %jit3A_71 = arith.constant 1.000000e+30 : f32
    %broadcast_in_dim3A_72 = vector.broadcast %jit3A_71 : f32 to vector<512x4096xf32>
    %select_n3A_73 = arith.select %eq3A_62, %broadcast_in_dim3A_72, %add3A_57 : vector<512x4096xi1>, vector<512x4096xf32>
    %add3A_74 = arith.addf %broadcast_in_dim3A_61, %broadcast_in_dim3A : vector<512x1xf32>
    %max3A = arith.constant 0.000000e+00 : f32
    %max3A_75 = vector.broadcast %max3A : f32 to vector<512x1xf32>
    %max3A_76 = arith.maximumf %add3A_74, %max3A_75 : vector<512x1xf32>
    %sqrt3A = math.sqrt %max3A_76 : vector<512x1xf32>
    %add3A_77 = arith.constant 9.99999993E-9 : f32
    %add3A_78 = vector.broadcast %add3A_77 : f32 to vector<512x1xf32>
    %add3A_79 = arith.addf %sqrt3A, %add3A_78 : vector<512x1xf32>
    %div3A_80 = arith.constant 1.000000e+00 : f32
    %div3A_81 = vector.broadcast %div3A_80 : f32 to vector<512x1xf32>
    %div3A_82 = arith.divf %div3A_81, %add3A_79 : vector<512x1xf32>
    %reduce_min3A_83 = arith.constant dense<0x7F800000> : vector<512xf32>
    %reduce_min3A_84 = vector.multi_reduction <minimumf>, %select_n3A_73, %reduce_min3A_83 [1] : vector<512x4096xf32> to vector<512xf32>
    %broadcast_in_dim3A_85 = vector.shape_cast %reduce_min3A_84 : vector<512xf32> to vector<512x1xf32>
    %eq3A_86 = vector.broadcast %broadcast_in_dim3A_85 : vector<512x1xf32> to vector<512x4096xf32>
    %eq3A_87 = arith.cmpf oeq, %select_n3A_73, %eq3A_86 : vector<512x4096xf32>
    %jit3A_88 = arith.constant 4.096000e+03 : f32
    %broadcast_in_dim3A_89 = vector.shape_cast %get3A_26 : vector<1x4096xf32> to vector<1x4096xf32>
    %broadcast_in_dim3A_90 = vector.broadcast %broadcast_in_dim3A_89 : vector<1x4096xf32> to vector<512x4096xf32>
    %broadcast_in_dim3A_91 = vector.broadcast %jit3A_88 : f32 to vector<512x4096xf32>
    %select_n3A_92 = arith.select %eq3A_87, %broadcast_in_dim3A_90, %broadcast_in_dim3A_91 : vector<512x4096xi1>, vector<512x4096xf32>
    %reduce_min3A_93 = arith.constant dense<0x7F800000> : vector<512xf32>
    %reduce_min3A_94 = vector.multi_reduction <minimumf>, %select_n3A_92, %reduce_min3A_93 [1] : vector<512x4096xf32> to vector<512xf32>
    %broadcast_in_dim3A_95 = vector.shape_cast %reduce_min3A_94 : vector<512xf32> to vector<512x1xf32>
    %jit3A_96 = arith.constant 1.000000e+30 : f32
    %broadcast_in_dim3A_97 = vector.broadcast %jit3A_96 : f32 to vector<512x4096xf32>
    %select_n3A_98 = arith.select %eq3A_87, %broadcast_in_dim3A_97, %select_n3A_73 : vector<512x4096xi1>, vector<512x4096xf32>
    %add3A_99 = arith.addf %broadcast_in_dim3A_85, %broadcast_in_dim3A : vector<512x1xf32>
    %max3A_100 = arith.constant 0.000000e+00 : f32
    %max3A_101 = vector.broadcast %max3A_100 : f32 to vector<512x1xf32>
    %max3A_102 = arith.maximumf %add3A_99, %max3A_101 : vector<512x1xf32>
    %sqrt3A_103 = math.sqrt %max3A_102 : vector<512x1xf32>
    %add3A_104 = arith.constant 9.99999993E-9 : f32
    %add3A_105 = vector.broadcast %add3A_104 : f32 to vector<512x1xf32>
    %add3A_106 = arith.addf %sqrt3A_103, %add3A_105 : vector<512x1xf32>
    %div3A_107 = arith.constant 1.000000e+00 : f32
    %div3A_108 = vector.broadcast %div3A_107 : f32 to vector<512x1xf32>
    %div3A_109 = arith.divf %div3A_108, %add3A_106 : vector<512x1xf32>
    %reduce_min3A_110 = arith.constant dense<0x7F800000> : vector<512xf32>
    %reduce_min3A_111 = vector.multi_reduction <minimumf>, %select_n3A_98, %reduce_min3A_110 [1] : vector<512x4096xf32> to vector<512xf32>
    %broadcast_in_dim3A_112 = vector.shape_cast %reduce_min3A_111 : vector<512xf32> to vector<512x1xf32>
    %eq3A_113 = vector.broadcast %broadcast_in_dim3A_112 : vector<512x1xf32> to vector<512x4096xf32>
    %eq3A_114 = arith.cmpf oeq, %select_n3A_98, %eq3A_113 : vector<512x4096xf32>
    %jit3A_115 = arith.constant 4.096000e+03 : f32
    %broadcast_in_dim3A_116 = vector.shape_cast %get3A_26 : vector<1x4096xf32> to vector<1x4096xf32>
    %broadcast_in_dim3A_117 = vector.broadcast %broadcast_in_dim3A_116 : vector<1x4096xf32> to vector<512x4096xf32>
    %broadcast_in_dim3A_118 = vector.broadcast %jit3A_115 : f32 to vector<512x4096xf32>
    %select_n3A_119 = arith.select %eq3A_114, %broadcast_in_dim3A_117, %broadcast_in_dim3A_118 : vector<512x4096xi1>, vector<512x4096xf32>
    %reduce_min3A_120 = arith.constant dense<0x7F800000> : vector<512xf32>
    %reduce_min3A_121 = vector.multi_reduction <minimumf>, %select_n3A_119, %reduce_min3A_120 [1] : vector<512x4096xf32> to vector<512xf32>
    %broadcast_in_dim3A_122 = vector.shape_cast %reduce_min3A_121 : vector<512xf32> to vector<512x1xf32>
    %add3A_123 = arith.addf %broadcast_in_dim3A_112, %broadcast_in_dim3A : vector<512x1xf32>
    %max3A_124 = arith.constant 0.000000e+00 : f32
    %max3A_125 = vector.broadcast %max3A_124 : f32 to vector<512x1xf32>
    %max3A_126 = arith.maximumf %add3A_123, %max3A_125 : vector<512x1xf32>
    %sqrt3A_127 = math.sqrt %max3A_126 : vector<512x1xf32>
    %add3A_128 = arith.constant 9.99999993E-9 : f32
    %add3A_129 = vector.broadcast %add3A_128 : f32 to vector<512x1xf32>
    %add3A_130 = arith.addf %sqrt3A_127, %add3A_129 : vector<512x1xf32>
    %div3A_131 = arith.constant 1.000000e+00 : f32
    %div3A_132 = vector.broadcast %div3A_131 : f32 to vector<512x1xf32>
    %div3A_133 = arith.divf %div3A_132, %add3A_130 : vector<512x1xf32>
    %add3A_134 = arith.addf %div3A_82, %div3A_109 : vector<512x1xf32>
    %add3A_135 = arith.addf %add3A_134, %div3A_133 : vector<512x1xf32>
    %concatenate3A = tpu.concatenate %div3A_82, %div3A_109, %div3A_133 in 1 : vector<512x1xf32>, vector<512x1xf32>, vector<512x1xf32> -> vector<512x3xf32>
    %div3A_136 = vector.broadcast %add3A_135 : vector<512x1xf32> to vector<512x3xf32>
    %div3A_137 = arith.divf %concatenate3A, %div3A_136 : vector<512x3xf32>
    %transpose3A = tpu.transpose %div3A_137, [1, 0] : vector<512x3xf32> -> vector<3x512xf32>
    %swap3A = arith.constant 0 : index
    %swap3A_138 = arith.constant 0 : index
    %swap3A_139 = vector.load %arg5[%swap3A, %swap3A_138] : memref<3x512xf32, #tpu.memory_space<vmem>>, vector<3x512xf32>
    tpu.vector_store %arg5[%swap3A, %swap3A_138], %transpose3A {strides = array<i32>} : memref<3x512xf32, #tpu.memory_space<vmem>>, vector<3x512xf32>,
    %concatenate3A_140 = tpu.concatenate %broadcast_in_dim3A_70, %broadcast_in_dim3A_95, %broadcast_in_dim3A_122 in 1 : vector<512x1xf32>, vector<512x1xf32>, vector<512x1xf32> -> vector<512x3xf32>
    %transpose3A_141 = tpu.transpose %concatenate3A_140, [1, 0] : vector<512x3xf32> -> vector<3x512xf32>
    %convert_element_type3A = arith.fptosi %transpose3A_141 : vector<3x512xf32> to vector<3x512xi32>
    %mul3A_142 = arith.constant 4096 : i32
    %mul3A_143 = arith.muli %add3A_16, %mul3A_142 : i32
    %add3A_144 = vector.broadcast %mul3A_143 : i32 to vector<3x512xi32>
    %add3A_145 = arith.addi %convert_element_type3A, %add3A_144 : vector<3x512xi32>
    %swap3A_146 = arith.constant 0 : index
    %swap3A_147 = arith.constant 0 : index
    %swap3A_148 = vector.load %arg4[%swap3A_146, %swap3A_147] : memref<3x512xi32, #tpu.memory_space<vmem>>, vector<3x512xi32>
    tpu.vector_store %arg4[%swap3A_146, %swap3A_147], %add3A_145 {strides = array<i32>} : memref<3x512xi32, #tpu.memory_space<vmem>>, vector<3x512xi32>,
    return
  }
  func.func @transform_0(%arg0: i32) -> (i32, i32) {
    %c0_i32 = arith.constant 0 : i32
    %c0_i32_0 = arith.constant 0 : i32
    return %arg0, %c0_i32 : i32, i32
  }
  func.func @transform_1(%arg0: i32) -> (i32, i32, i32) {
    %jit3A = arith.constant 32 : i32
    %div3A = arith.divsi %arg0, %jit3A : i32
    %sign3A = arith.constant 0 : i32
    %sign3A_0 = arith.cmpi sgt, %arg0, %sign3A : i32
    %sign3A_1 = arith.extui %sign3A_0 : i1 to i32
    %sign3A_2 = arith.constant 0 : i32
    %sign3A_3 = arith.cmpi slt, %arg0, %sign3A_2 : i32
    %sign3A_4 = arith.extui %sign3A_3 : i1 to i32
    %sign3A_5 = arith.subi %sign3A_1, %sign3A_4 : i32
    %sign3A_6 = arith.constant 0 : i32
    %sign3A_7 = arith.cmpi sgt, %jit3A, %sign3A_6 : i32
    %sign3A_8 = arith.extui %sign3A_7 : i1 to i32
    %sign3A_9 = arith.constant 0 : i32
    %sign3A_10 = arith.cmpi slt, %jit3A, %sign3A_9 : i32
    %sign3A_11 = arith.extui %sign3A_10 : i1 to i32
    %sign3A_12 = arith.subi %sign3A_8, %sign3A_11 : i32
    %ne3A = arith.cmpi ne, %sign3A_5, %sign3A_12 : i32
    %rem3A = arith.remsi %arg0, %jit3A : i32
    %ne3A_13 = arith.constant 0 : i32
    %ne3A_14 = arith.cmpi ne, %rem3A, %ne3A_13 : i32
    %and3A = arith.andi %ne3A, %ne3A_14 : i1
    %sub3A = arith.constant 1 : i32
    %sub3A_15 = arith.subi %div3A, %sub3A : i32
    %select_n3A = arith.select %and3A, %sub3A_15, %div3A : i32
    %c0_i32 = arith.constant 0 : i32
    %c0_i32_16 = arith.constant 0 : i32
    %c0_i32_17 = arith.constant 0 : i32
    return %select_n3A, %c0_i32, %c0_i32_16 : i32, i32, i32
  }
  func.func @transform_2(%arg0: i32) -> (i32, i32) {
    %c0_i32 = arith.constant 0 : i32
    %c0_i32_0 = arith.constant 0 : i32
    %c0_i32_1 = arith.constant 0 : i32
    return %c0_i32, %c0_i32_0 : i32, i32
  }
  func.func @transform_3(%arg0: i32) -> (i32, i32) {
    %c0_i32 = arith.constant 0 : i32
    %c0_i32_0 = arith.constant 0 : i32
    return %c0_i32, %arg0 : i32, i32
  }
  func.func @transform_4(%arg0: i32) -> (i32, i32) {
    %c0_i32 = arith.constant 0 : i32
    %c0_i32_0 = arith.constant 0 : i32
    return %c0_i32, %arg0 : i32, i32
  }
}

module attributes {stable_mosaic.version = 14 : i64} {
  func.func @_mlp_body(%arg0: i32, %arg1: memref<512x64xf32, #tpu.memory_space<vmem>>, %arg2: memref<512x64xf32, #tpu.memory_space<vmem>>, %arg3: memref<512x64xf32, #tpu.memory_space<vmem>>, %arg4: memref<512x64xf32, #tpu.memory_space<vmem>>, %arg5: memref<3x512xf32, #tpu.memory_space<vmem>>, %arg6: memref<64x64xf32, #tpu.memory_space<vmem>>, %arg7: memref<64x64xf32, #tpu.memory_space<vmem>>, %arg8: memref<1x64xf32, #tpu.memory_space<vmem>>, %arg9: memref<512x64xf32, #tpu.memory_space<vmem>>, %arg10: memref<8x64xf32, #tpu.memory_space<vmem>>, %arg11: memref<8x64xf32, #tpu.memory_space<vmem>>) attributes {dimension_semantics = [#tpu.dimension_semantics<arbitrary>], iteration_bounds = array<i64: 64>, scalar_prefetch = 0 : i64, scratch_operands = 0 : i64, tpu.core_type = #tpu.core_type<tc>, window_params = [{transform_indices = @transform_0, window_bounds = array<i64: 512, 64>}, {transform_indices = @transform_1, window_bounds = array<i64: 512, 64>}, {transform_indices = @transform_2, window_bounds = array<i64: 512, 64>}, {transform_indices = @transform_3, window_bounds = array<i64: 512, 64>}, {transform_indices = @transform_4, window_bounds = array<i64: 3, 512>}, {pipeline_mode = #tpu.pipeline_mode<synchronous>, transform_indices = @transform_5, window_bounds = array<i64: 64, 64>}, {pipeline_mode = #tpu.pipeline_mode<synchronous>, transform_indices = @transform_6, window_bounds = array<i64: 64, 64>}, {pipeline_mode = #tpu.pipeline_mode<synchronous>, transform_indices = @transform_7, window_bounds = array<i64: 1, 64>}, {transform_indices = @transform_8, window_bounds = array<i64: 512, 64>}, {pipeline_mode = #tpu.pipeline_mode<synchronous>, transform_indices = @transform_9, window_bounds = array<i64: 8, 64>}, {pipeline_mode = #tpu.pipeline_mode<synchronous>, transform_indices = @transform_10, window_bounds = array<i64: 8, 64>}]} {
    %get3A = arith.constant 0 : index
    %get3A_0 = arith.constant 0 : index
    %get3A_1 = vector.load %arg5[%get3A, %get3A_0] : memref<3x512xf32, #tpu.memory_space<vmem>>, vector<3x512xf32>
    %slice3A = vector.extract_strided_slice %get3A_1 {offsets = [0, 0], sizes = [1, 512], strides = [1, 1]} : vector<3x512xf32> to vector<1x512xf32>
    %transpose3A = tpu.transpose %slice3A, [1, 0] : vector<1x512xf32> -> vector<512x1xf32>
    %slice3A_2 = vector.extract_strided_slice %get3A_1 {offsets = [1, 0], sizes = [1, 512], strides = [1, 1]} : vector<3x512xf32> to vector<1x512xf32>
    %transpose3A_3 = tpu.transpose %slice3A_2, [1, 0] : vector<1x512xf32> -> vector<512x1xf32>
    %slice3A_4 = vector.extract_strided_slice %get3A_1 {offsets = [2, 0], sizes = [1, 512], strides = [1, 1]} : vector<3x512xf32> to vector<1x512xf32>
    %transpose3A_5 = tpu.transpose %slice3A_4, [1, 0] : vector<1x512xf32> -> vector<512x1xf32>
    %get3A_6 = arith.constant 0 : index
    %get3A_7 = arith.constant 0 : index
    %get3A_8 = vector.load %arg2[%get3A_6, %get3A_7] : memref<512x64xf32, #tpu.memory_space<vmem>>, vector<512x64xf32>
    %mul3A = vector.broadcast %transpose3A : vector<512x1xf32> to vector<512x64xf32>
    %mul3A_9 = arith.mulf %get3A_8, %mul3A : vector<512x64xf32>
    %get3A_10 = arith.constant 0 : index
    %get3A_11 = arith.constant 0 : index
    %get3A_12 = vector.load %arg3[%get3A_10, %get3A_11] : memref<512x64xf32, #tpu.memory_space<vmem>>, vector<512x64xf32>
    %mul3A_13 = vector.broadcast %transpose3A_3 : vector<512x1xf32> to vector<512x64xf32>
    %mul3A_14 = arith.mulf %get3A_12, %mul3A_13 : vector<512x64xf32>
    %add3A = arith.addf %mul3A_9, %mul3A_14 : vector<512x64xf32>
    %get3A_15 = arith.constant 0 : index
    %get3A_16 = arith.constant 0 : index
    %get3A_17 = vector.load %arg4[%get3A_15, %get3A_16] : memref<512x64xf32, #tpu.memory_space<vmem>>, vector<512x64xf32>
    %mul3A_18 = vector.broadcast %transpose3A_5 : vector<512x1xf32> to vector<512x64xf32>
    %mul3A_19 = arith.mulf %get3A_17, %mul3A_18 : vector<512x64xf32>
    %add3A_20 = arith.addf %add3A, %mul3A_19 : vector<512x64xf32>
    %get3A_21 = arith.constant 0 : index
    %get3A_22 = arith.constant 0 : index
    %get3A_23 = vector.load %arg1[%get3A_21, %get3A_22] : memref<512x64xf32, #tpu.memory_space<vmem>>, vector<512x64xf32>
    %get3A_24 = arith.constant 0 : index
    %get3A_25 = arith.constant 0 : index
    %get3A_26 = vector.load %arg6[%get3A_24, %get3A_25] : memref<64x64xf32, #tpu.memory_space<vmem>>, vector<64x64xf32>
    %dot_general3A = arith.constant dense<0.000000e+00> : vector<512x64xf32>
    %dot_general3A_27 = tpu.matmul %get3A_23, %get3A_26, %dot_general3A {dimension_numbers = #tpu.dot_dimension_numbers<[1], [0], [0], [1], [0, 0, 1, 1], [], []>, precision = #tpu.contract_precision<fp32>, transpose_lhs_hint = false} : vector<512x64xf32>, vector<64x64xf32>, vector<512x64xf32> -> vector<512x64xf32>
    %get3A_28 = arith.constant 0 : index
    %get3A_29 = arith.constant 0 : index
    %get3A_30 = vector.load %arg7[%get3A_28, %get3A_29] : memref<64x64xf32, #tpu.memory_space<vmem>>, vector<64x64xf32>
    %dot_general3A_31 = arith.constant dense<0.000000e+00> : vector<512x64xf32>
    %dot_general3A_32 = tpu.matmul %add3A_20, %get3A_30, %dot_general3A_31 {dimension_numbers = #tpu.dot_dimension_numbers<[1], [0], [0], [1], [0, 0, 1, 1], [], []>, precision = #tpu.contract_precision<fp32>, transpose_lhs_hint = false} : vector<512x64xf32>, vector<64x64xf32>, vector<512x64xf32> -> vector<512x64xf32>
    %add3A_33 = arith.addf %dot_general3A_27, %dot_general3A_32 : vector<512x64xf32>
    %get3A_34 = arith.constant 0 : index
    %get3A_35 = arith.constant 0 : index
    %get3A_36 = vector.load %arg8[%get3A_34, %get3A_35] : memref<1x64xf32, #tpu.memory_space<vmem>>, vector<1x64xf32>
    %add3A_37 = vector.broadcast %get3A_36 : vector<1x64xf32> to vector<512x64xf32>
    %add3A_38 = arith.addf %add3A_33, %add3A_37 : vector<512x64xf32>
    %swap3A = arith.constant 0 : index
    %swap3A_39 = arith.constant 0 : index
    %swap3A_40 = vector.load %arg9[%swap3A, %swap3A_39] : memref<512x64xf32, #tpu.memory_space<vmem>>, vector<512x64xf32>
    tpu.vector_store %arg9[%swap3A, %swap3A_39], %add3A_38 {strides = array<i32>} : memref<512x64xf32, #tpu.memory_space<vmem>>, vector<512x64xf32>,
    %reshape3A = vector.shape_cast %add3A_38 : vector<512x64xf32> to vector<8x64x64xf32>
    %reduce_sum3A = arith.constant dense<0.000000e+00> : vector<8x64xf32>
    %reduce_sum3A_41 = vector.multi_reduction <add>, %reshape3A, %reduce_sum3A [1] : vector<8x64x64xf32> to vector<8x64xf32>
    %mul3A_42 = arith.mulf %reshape3A, %reshape3A : vector<8x64x64xf32>
    %reduce_sum3A_43 = arith.constant dense<0.000000e+00> : vector<8x64xf32>
    %reduce_sum3A_44 = vector.multi_reduction <add>, %mul3A_42, %reduce_sum3A_43 [1] : vector<8x64x64xf32> to vector<8x64xf32>
    %eq3A = arith.constant 0 : i32
    %eq3A_45 = arith.cmpi eq, %arg0, %eq3A : i32
    %convert_element_type3A = arith.extui %eq3A_45 : i1 to i32
    %cond3A = arith.constant 0 : i32
    %cond3A_46 = arith.cmpi ne, %convert_element_type3A, %cond3A : i32
    scf.if %cond3A_46 {
      %swap3A_51 = arith.constant 0 : index
      %swap3A_52 = arith.constant 0 : index
      %swap3A_53 = vector.load %arg10[%swap3A_51, %swap3A_52] : memref<8x64xf32, #tpu.memory_space<vmem>>, vector<8x64xf32>
      tpu.vector_store %arg10[%swap3A_51, %swap3A_52], %reduce_sum3A_41 {strides = array<i32>} : memref<8x64xf32, #tpu.memory_space<vmem>>, vector<8x64xf32>,
      %swap3A_54 = arith.constant 0 : index
      %swap3A_55 = arith.constant 0 : index
      %swap3A_56 = vector.load %arg11[%swap3A_54, %swap3A_55] : memref<8x64xf32, #tpu.memory_space<vmem>>, vector<8x64xf32>
      tpu.vector_store %arg11[%swap3A_54, %swap3A_55], %reduce_sum3A_44 {strides = array<i32>} : memref<8x64xf32, #tpu.memory_space<vmem>>, vector<8x64xf32>,
    } else {
    }
    %gt3A = arith.constant 0 : i32
    %gt3A_47 = arith.cmpi sgt, %arg0, %gt3A : i32
    %convert_element_type3A_48 = arith.extui %gt3A_47 : i1 to i32
    %cond3A_49 = arith.constant 0 : i32
    %cond3A_50 = arith.cmpi ne, %convert_element_type3A_48, %cond3A_49 : i32
    scf.if %cond3A_50 {
      %get3A_51 = arith.constant 0 : index
      %get3A_52 = arith.constant 0 : index
      %get3A_53 = vector.load %arg10[%get3A_51, %get3A_52] : memref<8x64xf32, #tpu.memory_space<vmem>>, vector<8x64xf32>
      %add3A_54 = arith.addf %get3A_53, %reduce_sum3A_41 : vector<8x64xf32>
      %swap3A_55 = arith.constant 0 : index
      %swap3A_56 = arith.constant 0 : index
      %swap3A_57 = vector.load %arg10[%swap3A_55, %swap3A_56] : memref<8x64xf32, #tpu.memory_space<vmem>>, vector<8x64xf32>
      tpu.vector_store %arg10[%swap3A_55, %swap3A_56], %add3A_54 {strides = array<i32>} : memref<8x64xf32, #tpu.memory_space<vmem>>, vector<8x64xf32>,
      %get3A_58 = arith.constant 0 : index
      %get3A_59 = arith.constant 0 : index
      %get3A_60 = vector.load %arg11[%get3A_58, %get3A_59] : memref<8x64xf32, #tpu.memory_space<vmem>>, vector<8x64xf32>
      %add3A_61 = arith.addf %get3A_60, %reduce_sum3A_44 : vector<8x64xf32>
      %swap3A_62 = arith.constant 0 : index
      %swap3A_63 = arith.constant 0 : index
      %swap3A_64 = vector.load %arg11[%swap3A_62, %swap3A_63] : memref<8x64xf32, #tpu.memory_space<vmem>>, vector<8x64xf32>
      tpu.vector_store %arg11[%swap3A_62, %swap3A_63], %add3A_61 {strides = array<i32>} : memref<8x64xf32, #tpu.memory_space<vmem>>, vector<8x64xf32>,
    } else {
    }
    return
  }
  func.func @transform_0(%arg0: i32) -> (i32, i32) {
    %c0_i32 = arith.constant 0 : i32
    %c0_i32_0 = arith.constant 0 : i32
    return %arg0, %c0_i32 : i32, i32
  }
  func.func @transform_1(%arg0: i32) -> (i32, i32) {
    %add3A = arith.constant 0 : i32
    %add3A_0 = arith.addi %add3A, %arg0 : i32
    %c0_i32 = arith.constant 0 : i32
    %c0_i32_1 = arith.constant 0 : i32
    return %add3A_0, %c0_i32 : i32, i32
  }
  func.func @transform_2(%arg0: i32) -> (i32, i32) {
    %add3A = arith.constant 64 : i32
    %add3A_0 = arith.addi %add3A, %arg0 : i32
    %c0_i32 = arith.constant 0 : i32
    %c0_i32_1 = arith.constant 0 : i32
    return %add3A_0, %c0_i32 : i32, i32
  }
  func.func @transform_3(%arg0: i32) -> (i32, i32) {
    %add3A = arith.constant 128 : i32
    %add3A_0 = arith.addi %add3A, %arg0 : i32
    %c0_i32 = arith.constant 0 : i32
    %c0_i32_1 = arith.constant 0 : i32
    return %add3A_0, %c0_i32 : i32, i32
  }
  func.func @transform_4(%arg0: i32) -> (i32, i32) {
    %c0_i32 = arith.constant 0 : i32
    %c0_i32_0 = arith.constant 0 : i32
    return %c0_i32, %arg0 : i32, i32
  }
  func.func @transform_5(%arg0: i32) -> (i32, i32) {
    %c0_i32 = arith.constant 0 : i32
    %c0_i32_0 = arith.constant 0 : i32
    %c0_i32_1 = arith.constant 0 : i32
    return %c0_i32, %c0_i32_0 : i32, i32
  }
  func.func @transform_6(%arg0: i32) -> (i32, i32) {
    %c0_i32 = arith.constant 0 : i32
    %c0_i32_0 = arith.constant 0 : i32
    %c0_i32_1 = arith.constant 0 : i32
    return %c0_i32, %c0_i32_0 : i32, i32
  }
  func.func @transform_7(%arg0: i32) -> (i32, i32) {
    %c0_i32 = arith.constant 0 : i32
    %c0_i32_0 = arith.constant 0 : i32
    %c0_i32_1 = arith.constant 0 : i32
    return %c0_i32, %c0_i32_0 : i32, i32
  }
  func.func @transform_8(%arg0: i32) -> (i32, i32) {
    %c0_i32 = arith.constant 0 : i32
    %c0_i32_0 = arith.constant 0 : i32
    return %arg0, %c0_i32 : i32, i32
  }
  func.func @transform_9(%arg0: i32) -> (i32, i32) {
    %c0_i32 = arith.constant 0 : i32
    %c0_i32_0 = arith.constant 0 : i32
    %c0_i32_1 = arith.constant 0 : i32
    return %c0_i32, %c0_i32_0 : i32, i32
  }
  func.func @transform_10(%arg0: i32) -> (i32, i32) {
    %c0_i32 = arith.constant 0 : i32
    %c0_i32_0 = arith.constant 0 : i32
    %c0_i32_1 = arith.constant 0 : i32
    return %c0_i32, %c0_i32_0 : i32, i32
  }
}

module attributes {stable_mosaic.version = 14 : i64} {
  func.func @_bn_body(%arg0: i32, %arg1: memref<512x64xf32, #tpu.memory_space<vmem>>, %arg2: memref<8x64xf32, #tpu.memory_space<vmem>>, %arg3: memref<8x64xf32, #tpu.memory_space<vmem>>, %arg4: memref<8x64xf32, #tpu.memory_space<vmem>>, %arg5: memref<8x64xf32, #tpu.memory_space<vmem>>, %arg6: memref<1x64xf32, #tpu.memory_space<vmem>>, %arg7: memref<1x64xf32, #tpu.memory_space<vmem>>, %arg8: memref<512x64xf32, #tpu.memory_space<vmem>>) attributes {dimension_semantics = [#tpu.dimension_semantics<arbitrary>], iteration_bounds = array<i64: 64>, scalar_prefetch = 0 : i64, scratch_operands = 0 : i64, tpu.core_type = #tpu.core_type<tc>, window_params = [{transform_indices = @transform_0, window_bounds = array<i64: 512, 64>}, {pipeline_mode = #tpu.pipeline_mode<synchronous>, transform_indices = @transform_1, window_bounds = array<i64: 8, 64>}, {pipeline_mode = #tpu.pipeline_mode<synchronous>, transform_indices = @transform_2, window_bounds = array<i64: 8, 64>}, {pipeline_mode = #tpu.pipeline_mode<synchronous>, transform_indices = @transform_3, window_bounds = array<i64: 8, 64>}, {pipeline_mode = #tpu.pipeline_mode<synchronous>, transform_indices = @transform_4, window_bounds = array<i64: 8, 64>}, {pipeline_mode = #tpu.pipeline_mode<synchronous>, transform_indices = @transform_5, window_bounds = array<i64: 1, 64>}, {pipeline_mode = #tpu.pipeline_mode<synchronous>, transform_indices = @transform_6, window_bounds = array<i64: 1, 64>}, {transform_indices = @transform_7, window_bounds = array<i64: 512, 64>}]} {
    %get3A = arith.constant 0 : index
    %get3A_0 = arith.constant 0 : index
    %get3A_1 = vector.load %arg2[%get3A, %get3A_0] : memref<8x64xf32, #tpu.memory_space<vmem>>, vector<8x64xf32>
    %get3A_2 = arith.constant 0 : index
    %get3A_3 = arith.constant 0 : index
    %get3A_4 = vector.load %arg4[%get3A_2, %get3A_3] : memref<8x64xf32, #tpu.memory_space<vmem>>, vector<8x64xf32>
    %add3A = arith.addf %get3A_1, %get3A_4 : vector<8x64xf32>
    %reduce_sum3A = arith.constant dense<0.000000e+00> : vector<64xf32>
    %reduce_sum3A_5 = vector.multi_reduction <add>, %add3A, %reduce_sum3A [0] : vector<8x64xf32> to vector<64xf32>
    %broadcast_in_dim3A = vector.shape_cast %reduce_sum3A_5 : vector<64xf32> to vector<1x64xf32>
    %get3A_6 = arith.constant 0 : index
    %get3A_7 = arith.constant 0 : index
    %get3A_8 = vector.load %arg3[%get3A_6, %get3A_7] : memref<8x64xf32, #tpu.memory_space<vmem>>, vector<8x64xf32>
    %get3A_9 = arith.constant 0 : index
    %get3A_10 = arith.constant 0 : index
    %get3A_11 = vector.load %arg5[%get3A_9, %get3A_10] : memref<8x64xf32, #tpu.memory_space<vmem>>, vector<8x64xf32>
    %add3A_12 = arith.addf %get3A_8, %get3A_11 : vector<8x64xf32>
    %reduce_sum3A_13 = arith.constant dense<0.000000e+00> : vector<64xf32>
    %reduce_sum3A_14 = vector.multi_reduction <add>, %add3A_12, %reduce_sum3A_13 [0] : vector<8x64xf32> to vector<64xf32>
    %broadcast_in_dim3A_15 = vector.shape_cast %reduce_sum3A_14 : vector<64xf32> to vector<1x64xf32>
    %div3A = arith.constant 6.553600e+04 : f32
    %div3A_16 = vector.broadcast %div3A : f32 to vector<1x64xf32>
    %div3A_17 = arith.divf %broadcast_in_dim3A, %div3A_16 : vector<1x64xf32>
    %div3A_18 = arith.constant 6.553600e+04 : f32
    %div3A_19 = vector.broadcast %div3A_18 : f32 to vector<1x64xf32>
    %div3A_20 = arith.divf %broadcast_in_dim3A_15, %div3A_19 : vector<1x64xf32>
    %mul3A = arith.mulf %div3A_17, %div3A_17 : vector<1x64xf32>
    %sub3A = arith.subf %div3A_20, %mul3A : vector<1x64xf32>
    %add3A_21 = arith.constant 9.99999974E-6 : f32
    %add3A_22 = vector.broadcast %add3A_21 : f32 to vector<1x64xf32>
    %add3A_23 = arith.addf %sub3A, %add3A_22 : vector<1x64xf32>
    %rsqrt3A = math.rsqrt %add3A_23 : vector<1x64xf32>
    %get3A_24 = arith.constant 0 : index
    %get3A_25 = arith.constant 0 : index
    %get3A_26 = vector.load %arg1[%get3A_24, %get3A_25] : memref<512x64xf32, #tpu.memory_space<vmem>>, vector<512x64xf32>
    %get3A_27 = arith.constant 0 : index
    %get3A_28 = arith.constant 0 : index
    %get3A_29 = vector.load %arg6[%get3A_27, %get3A_28] : memref<1x64xf32, #tpu.memory_space<vmem>>, vector<1x64xf32>
    %sub3A_30 = vector.broadcast %div3A_17 : vector<1x64xf32> to vector<512x64xf32>
    %sub3A_31 = arith.subf %get3A_26, %sub3A_30 : vector<512x64xf32>
    %mul3A_32 = vector.broadcast %rsqrt3A : vector<1x64xf32> to vector<512x64xf32>
    %mul3A_33 = arith.mulf %sub3A_31, %mul3A_32 : vector<512x64xf32>
    %mul3A_34 = vector.broadcast %get3A_29 : vector<1x64xf32> to vector<512x64xf32>
    %mul3A_35 = arith.mulf %mul3A_34, %mul3A_33 : vector<512x64xf32>
    %get3A_36 = arith.constant 0 : index
    %get3A_37 = arith.constant 0 : index
    %get3A_38 = vector.load %arg7[%get3A_36, %get3A_37] : memref<1x64xf32, #tpu.memory_space<vmem>>, vector<1x64xf32>
    %add3A_39 = vector.broadcast %get3A_38 : vector<1x64xf32> to vector<512x64xf32>
    %add3A_40 = arith.addf %mul3A_35, %add3A_39 : vector<512x64xf32>
    %max3A = arith.constant 0.000000e+00 : f32
    %max3A_41 = vector.broadcast %max3A : f32 to vector<512x64xf32>
    %max3A_42 = arith.maximumf %add3A_40, %max3A_41 : vector<512x64xf32>
    %swap3A = arith.constant 0 : index
    %swap3A_43 = arith.constant 0 : index
    %swap3A_44 = vector.load %arg8[%swap3A, %swap3A_43] : memref<512x64xf32, #tpu.memory_space<vmem>>, vector<512x64xf32>
    tpu.vector_store %arg8[%swap3A, %swap3A_43], %max3A_42 {strides = array<i32>} : memref<512x64xf32, #tpu.memory_space<vmem>>, vector<512x64xf32>,
    return
  }
  func.func @transform_0(%arg0: i32) -> (i32, i32) {
    %c0_i32 = arith.constant 0 : i32
    %c0_i32_0 = arith.constant 0 : i32
    return %arg0, %c0_i32 : i32, i32
  }
  func.func @transform_1(%arg0: i32) -> (i32, i32) {
    %c0_i32 = arith.constant 0 : i32
    %c0_i32_0 = arith.constant 0 : i32
    %c0_i32_1 = arith.constant 0 : i32
    return %c0_i32, %c0_i32_0 : i32, i32
  }
  func.func @transform_2(%arg0: i32) -> (i32, i32) {
    %c0_i32 = arith.constant 0 : i32
    %c0_i32_0 = arith.constant 0 : i32
    %c0_i32_1 = arith.constant 0 : i32
    return %c0_i32, %c0_i32_0 : i32, i32
  }
  func.func @transform_3(%arg0: i32) -> (i32, i32) {
    %c0_i32 = arith.constant 0 : i32
    %c0_i32_0 = arith.constant 0 : i32
    %c0_i32_1 = arith.constant 0 : i32
    return %c0_i32, %c0_i32_0 : i32, i32
  }
  func.func @transform_4(%arg0: i32) -> (i32, i32) {
    %c0_i32 = arith.constant 0 : i32
    %c0_i32_0 = arith.constant 0 : i32
    %c0_i32_1 = arith.constant 0 : i32
    return %c0_i32, %c0_i32_0 : i32, i32
  }
  func.func @transform_5(%arg0: i32) -> (i32, i32) {
    %c0_i32 = arith.constant 0 : i32
    %c0_i32_0 = arith.constant 0 : i32
    %c0_i32_1 = arith.constant 0 : i32
    return %c0_i32, %c0_i32_0 : i32, i32
  }
  func.func @transform_6(%arg0: i32) -> (i32, i32) {
    %c0_i32 = arith.constant 0 : i32
    %c0_i32_0 = arith.constant 0 : i32
    %c0_i32_1 = arith.constant 0 : i32
    return %c0_i32, %c0_i32_0 : i32, i32
  }
  func.func @transform_7(%arg0: i32) -> (i32, i32) {
    %c0_i32 = arith.constant 0 : i32
    %c0_i32_0 = arith.constant 0 : i32
    return %arg0, %c0_i32 : i32, i32
  }
}

</mosaic_0001>

<sc_bundles>
// kernel: kernel.10.cloned.1.call-start
scs
__scs_entry_jumppad:
0x0: {  	(pc) =	sbr.rel $0x88, $3  }
0x1: {  	(tag) =	ssettag $0x0;
	lr =	simm.s32 $0x1  }
0x2: {  	[smem:$0x3F98] =	sst lr;
	_ =	strace $0xD0000000  }
0x3: {  	_ = 	snop  }
0x4: {  	_ = 	snop  }
0x5: {  	_ = 	snop  }
0x6: {  	_ = 	snop  }
0x7: {  	_ = 	snop  }
__scs_overlays_trampoline_lowered:
0x8: {  	[smem:$0x3FA7] =	sst s0  }
0x9: {  	[smem:$0x3FA8] =	sst s1  }
0xa: {  	[smem:$0x3FA9] =	sst s2  }
0xb: {  	[smem:$0x3FAA] =	sst s3  }
0xc: {  	[smem:$0x3FAB] =	sst s4  }
0xd: {  	[smem:$0x3FAC] =	sst s5  }
0xe: {  	[smem:$0x3FAD] =	sst s6  }
0xf: {  	[smem:$0x3FAE] =	sst s7  }
0x10: {  	[smem:$0x3FAF] =	sst s8  }
0x11: {  	[smem:$0x3FB0] =	sst s9;
	s0 =	simm.s32 @!p0 $0x0  }
0x12: {  	s1 =	sld [smem:$0x3F96];
	s0 =	simm.s32 @p0 $0x1  }
0x13: {  	[smem:$0x3FB1] =	sst s0;
	s0 =	simm.s32 @!p1 $0x0  }
0x14: {  	s2 =	sld [smem:$0x3F95];
	s0 =	simm.s32 @p1 $0x1  }
0x15: {  	[smem:$0x3FB2] =	sst s0;
	s0 =	simm.s32 @!p2 $0x0  }
0x16: {  	s3 =	sld [smem:$0x3FDB];
	s0 =	simm.s32 @p2 $0x1  }
0x17: {  	s4 =	simm.s32 $0x1BF5;
	[smem:$0x3FB4] =	sst s0  }
0x18: {  	s0 =	sld [smem:$0x3F97];
	_ =	swait.ge [sflag:s4], $0x0  }
0x19: {  	s7 =	sld [smem:$0x3F98]  }
0x1a: {  	s8 =	sadd.s32 $0xFFFFE003, lr  }
0x1b: {  	s9 =	sadd.s32 $0xFFFFFEF7, lr;
	s5 =	simm.s32 $0xFFFFFFFF;
	p2 =	slt.u32 s8, $0xFFFFF086  }
0x1c: {  	p1 =	slt.u32 s9, $0xF7A;
	s5 =	simm.s32 @!p2 $0x0  }
0x1d: {  	s5 =	simm.s32 @p1 $0x1;
	p0 =	seq.s32 s7, s2  }
0x1e: {  	s7 =	smul.u32 @!p0 $0xF7A, s2;
	p2 =	seq.s32 @!p0 s5, $0x0  }
0x1f: {  	s9 =	smul.u32 $0xF7A, s1;
	s8 =	simm.s32 @!p0 $0x1BF5;
	p2 =	por !p2, p0  }
0x20: {  	[sflag:s8] =	ssyncset.s32 @!p0 $0xFFFFF086;
	s6 =	sadd.s32 @!p0 s3, s7;
	s7 =	simm.s32 @!p0 $0x108  }
0x21: {  	s3 =	sadd.s32 s3, s9;
	s6 =	sadd.s32 @!p0 $0x88, s6;
	s7 =	simm.s32 @p2 $0x1082  }
0x22: {  	[simem:s7], [sflag:s8] =	dma.local @!p0 [hbm:s6], $0xF7A  }
0x23: {  	s9 =	sor.u32 $0xD0000000, s2;
	s6 =	simm.s32 $0x108;
	_ =	swait.ge @!p0 [sflag:s8], $0x0  }
0x24: {  	s3 =	sadd.s32 $0x88, s3;
	s6 =	simm.s32 @!p1 $0x1082;
	[sflag:s4] =	ssyncset.s32 $0xFFFFF086  }
0x25: {  	[simem:s6], [sflag:s4] =	dma.local [hbm:s3], $0xF7A  }
0x26: {  	[smem:$0x3F98] =	sst s1;
	(tag) =	ssettag s2;
	_ =	strace s9  }
0x27: {  	s1 =	sld [smem:$0x3FA8]  }
0x28: {  	s2 =	sld [smem:$0x3FA9]  }
0x29: {  	s4 =	sld [smem:$0x3FAB]  }
0x2a: {  	p0 =	seq.s32 s5, $0x0;
	s5 =	sld [smem:$0x3FAC]  }
0x2b: {  	s6 =	sld [smem:$0x3FAD]  }
0x2c: {  	s7 =	sld [smem:$0x3FAE]  }
0x2d: {  	s3 =	simm.s32 $0x108;
	s8 =	sld [smem:$0x3FAF]  }
0x2e: {  	s3 =	simm.s32 @!p0 $0x1082;
	s9 =	sld [smem:$0x3FB0]  }
0x2f: {  	lr =	sadd.s32 s0, s3;
	s0 =	sld [smem:$0x3FA7]  }
0x30: {  	s3 =	sld [smem:$0x3FAA]  }
0x31: {  	[smem:$0x3FB3] =	sst s10  }
0x32: {  	s10 =	sld [smem:$0x3FB1];
	_ =	sdelay $0x3  }
0x33: {  	p0 =	seq.s32 s10, $0x1;
	s10 =	sld [smem:$0x3FB3];
	_ =	sdelay $0x3  }
0x34: {  	[smem:$0x3FB3] =	sst s10  }
0x35: {  	s10 =	sld [smem:$0x3FB2];
	_ =	sdelay $0x3  }
0x36: {  	p1 =	seq.s32 s10, $0x1;
	s10 =	sld [smem:$0x3FB3];
	_ =	sdelay $0x3  }
0x37: {  	[smem:$0x3FB3] =	sst s10  }
0x38: {  	s10 =	sld [smem:$0x3FB4]  }
0x39: {  	_ = 	snop;
	(pc) =	sbr.ind lr, $3  }
0x3a: {  	_ = 	snop  }
0x3b: {  	_ = 	snop  }
0x3c: {  	p2 =	seq.s32 s10, $0x1;
	s10 =	sld [smem:$0x3FB3]  }
0x3d: {  	_ =	shalt  }
0x3e: {  	_ =	shalt  }
0x3f: {  	_ =	shalt  }
0x40: {  	_ =	shalt  }
0x41: {  	_ =	shalt  }
0x42: {  	_ =	shalt  }
0x43: {  	_ =	shalt  }
0x44: {  	_ =	shalt  }
0x45: {  	_ =	shalt  }
0x46: {  	_ =	shalt  }
0x47: {  	_ =	shalt  }
0x48: {  	_ =	shalt  }
0x49: {  	_ =	shalt  }
0x4a: {  	_ =	shalt  }
0x4b: {  	_ =	shalt  }
0x4c: {  	_ =	shalt  }
0x4d: {  	_ =	shalt  }
0x4e: {  	_ =	shalt  }
0x4f: {  	_ =	shalt  }
0x50: {  	_ =	shalt  }
0x51: {  	_ =	shalt  }
0x52: {  	_ =	shalt  }
0x53: {  	_ =	shalt  }
0x54: {  	_ =	shalt  }
0x55: {  	_ =	shalt  }
0x56: {  	_ =	shalt  }
0x57: {  	_ =	shalt  }
0x58: {  	_ =	shalt  }
0x59: {  	_ =	shalt  }
0x5a: {  	_ =	shalt  }
0x5b: {  	_ =	shalt  }
0x5c: {  	_ =	shalt  }
0x5d: {  	_ =	shalt  }
0x5e: {  	_ =	shalt  }
0x5f: {  	_ =	shalt  }
0x60: {  	_ =	shalt  }
0x61: {  	_ =	shalt  }
0x62: {  	_ =	shalt  }
0x63: {  	_ =	shalt  }
0x64: {  	_ =	shalt  }
0x65: {  	_ =	shalt  }
0x66: {  	_ =	shalt  }
0x67: {  	_ =	shalt  }
0x68: {  	_ =	shalt  }
0x69: {  	_ =	shalt  }
0x6a: {  	_ =	shalt  }
0x6b: {  	_ =	shalt  }
0x6c: {  	_ =	shalt  }
0x6d: {  	_ =	shalt  }
0x6e: {  	_ =	shalt  }
0x6f: {  	_ =	shalt  }
0x70: {  	_ =	shalt  }
0x71: {  	_ =	shalt  }
0x72: {  	_ =	shalt  }
0x73: {  	_ =	shalt  }
0x74: {  	_ =	shalt  }
0x75: {  	_ =	shalt  }
0x76: {  	_ =	shalt  }
0x77: {  	_ =	shalt  }
0x78: {  	_ =	shalt  }
0x79: {  	_ =	shalt  }
0x7a: {  	_ =	shalt  }
0x7b: {  	_ =	shalt  }
0x7c: {  	_ =	shalt  }
0x7d: {  	_ =	shalt  }
0x7e: {  	_ =	shalt  }
0x7f: {  	_ =	shalt  }
0x80: {  	_ =	shalt  }
0x81: {  	_ =	shalt  }
0x82: {  	_ =	shalt  }
0x83: {  	_ =	shalt  }
0x84: {  	_ =	shalt  }
0x85: {  	_ =	shalt  }
0x86: {  	_ =	shalt  }
0x87: {  	_ =	shalt  }
.Lfunc_end0:
.L_simem_size_0:
called_computation_lowered:
.L_overlay_start_0:
0x88: {  	s2 =	sld [smem:$0x3FD9]  }
0x89: {  	s3 =	sld [smem:$0x3FFE];
	_ =	sdelay $0x1  }
0x8a: {  	s1 =	srdreg.scid  }
0x8b: {  	s0 =	sand.u32 $0x1, s1  }
0x8c: {  	s16 =	sshll.u32 s0, $0xA;
	s2 =	sadd.s32 s3, s2  }
0x8d: {  	s2 =	sadd.s32 s2, s16  }
0x8e: {  	[smem:$0x3FBF] =	sst s2  }
0x8f: {  	_ = 	snop  }
0x90: {  	(tm) =	ssettm $0x1  }
0x91: {  	s17 =	sld [smem:$0x3FFB];
	_ =	sdelay $0x3  }
0x92: {  	_ =	strace s17  }
0x93: {  	s2 =	sld [smem:$0x3FFC];
	_ =	sdelay $0x3  }
0x94: {  	_ =	strace s2  }
0x95: {  	s2 =	sld [smem:$0x3FFD];
	_ =	sdelay $0x3  }
0x96: {  	_ =	strace s2  }
0x97: {  	_ =	strace $0x8FFFFFFF  }
0x98: {  	s18 =	sld [smem:$0x3FDB];
	_ =	sdelay $0x1  }
0x99: {  	s19 =	simm.s32 $_scs_section_size  }
0x9a: {  	s4 =	simm.s32 $_size__tile_overlayer_lowered;
	s5 =	simm.s32 $_tile_overlayer_lowered  }
0x9b: {  	s22 =	simm.s32 $0x1BFF;
	s21 =	sshll.u32 s5, $0x1;
	s2 =	sadd.s32 s19, s18  }
0x9c: {  	s6 =	simm.s32 $0x0;
	s20 =	sshll.u32 s4, $0x1;
	s4 =	sadd.s32 s21, s2  }
0x9d: {  	[timem:s6], [sflag:s22] =	dma.local [hbm:s4], s20  }
0x9e: {  	_ =	swait.ge [sflag:s22], s20  }
0x9f: {  	s3 =	ssub.s32 $0x0, s20;
	[sflag:s22] =	ssyncset.done $0x0  }
0xa0: {  	[sflag:s22] =	ssyncadd.s32 s3;
	_ =	sdelay $0x1  }
0xa1: {  	s23 =	simm.s32 $0x1B8B  }
0xa2: {  	_ =	swait.ge [sflag:s23], $0x1  }
0xa3: {  	[sflag:s23] =	ssyncset.done $0x0  }
0xa4: {  	s25 =	simm.s32 $0x1B8E;
	s24 =	sld [smem:$0x3FFE];
	[sflag:s23] =	ssyncadd.s32 $0xFFFFFFFF  }
0xa5: {  	s26 =	simm.s32 $execute0_lowered;
	[smem:$0x3FD2] =	sst s25  }
0xa6: {  	s4 =	sshll.u32 s26, $0x1;
	_ =	strace $0x80000046;
	[dreg:$0x1] =	wrdreg $0xFFFFFFFF  }
0xa7: {  	s28 =	simm.s32 $_size_execute0_lowered;
	s2 =	sadd.s32 s2, s4;
	[dreg:$0x0] =	wrdreg $0x0  }
0xa8: {  	s4 =	sshll.u32 s28, $0x1;
	[dreg:$0x2] =	wrdreg s2  }
0xa9: {  	[dreg:$0x3] =	wrdreg s4  }
0xaa: {  	[dreg:$0x4] =	wrdreg $0xC0  }
0xab: {  	_ =	task [dreg:s6], $0x5FFFF  }
0xac: {  	[dreg:$0x1] =	wrdreg $0xFFFFFFFF  }
0xad: {  	[dreg:$0x0] =	wrdreg $0x60  }
0xae: {  	[dreg:$0x2] =	wrdreg s24  }
0xaf: {  	[dreg:$0x3] =	wrdreg $0x9  }
0xb0: {  	_ =	task.clear_ibuf [dreg:s6], $0x4FFFF;
	_ =	strace $0x90000046  }
0xb1: {  	s29 =	simm.s32 $0x9;
	_ =	strace $0x80000048  }
0xb2: {  	_ =	swait.ge [sflag:s29], $0x1  }
0xb3: {  	[sflag:s29] =	ssyncadd.s32 $0xFFFFFFFF  }
0xb4: {  	_ =	strace $0x90000048  }
0xb5: {  	_ =	sfence  }
0xb6: {  	s30 =	sld [smem:$0x0];
	_ =	sdelay $0x2  }
0xb7: {  	s31 =	sshll.u32 s1, $0xD;
	s1 =	sshrl.u32 s1, $0x2  }
0xb8: {  	s3 =	sand.u32 $0x4000, s31;
	s1 =	sadd.s32 s1, s30  }
0xb9: {  	s0 =	sor.u32 s3, s0;
	s1 =	sshll.u32 s1, $0x11  }
0xba: {  	s0 =	sor.u32 s1, s0  }
0xbb: {  	s0 =	sadd.s32 $0x8F2B, s0  }
0xbc: {  	[sflag:s0] =	ssyncadd.remote.s32 $0x1  }
0xbd: {  	_ =	sfence.sel $0xFFFF  }
0xbe: {  	[dreg:$0x0] =	wrdreg $0xFFFFFFFF;
	(pc) =	sbr.abs _section_cstart, $3  }
0xbf: {  	[dreg:$0x1] =	wrdreg $0xFFFFFFFF  }
0xc0: {  	_ =	task.clear_ibuf [dreg:s6], $0x2FFFF;
	_ =	strace $0x9FFFFFFF  }
0xc1: {  	(tm) =	ssettm $0x7FFFFFFF  }
tec
execute0_lowered:
.L_overlay_start_1:
0x0: {  	(tag) =	ssettag $0x1  }
0x1: {  	s1 =	srdreg.scid  }
0x2: {  	s0 =	stileid.u32;
	s5 =	rddreg [dreg:$0x0];
	s2 =	simm.s32 $0x0  }
0x3: {  	s14 =	simm.s32 $0x0;
	s4 =	sand.u32 $0x1, s1;
	s7 =	smul.u32 $0x60000, s0  }
0x4: {  	s28 =	sshll.u32 s0, $0x1;
	s1 =	rddreg [dreg:$0x1];
	s8 =	smul.u32 $0x1800, s0  }
0x5: {  	[smem:$0x7FF] =	sst s2;
	s13 =	sadd.s32 $0x25E00, s5;
	s10 =	smul.u32 $0xC00, s4  }
0x6: {  	s3 =	sor.u32 s4, s28;
	s9 =	ssub.s32 $0x2, s4;
	s12 =	smul.u32 $0x30000, s4  }
0x7: {  	_ =	strace $0x80000047;
	s6 =	smul.u32 $0x180, s3;
	s11 =	sshrl.u32 s9, $0x1  }
0x8: {  	s3 =	sadd.s32 $0x5E00, s5;
	s29 =	ssub.s32 s9, s11;
	s8 =	sadd.s32 s10, s8  }
0x9: {  	s30 =	sadd.s32 s12, s7;
	s9 =	simm.s32 $0x80;
	s10 =	simm.s32 $0xC00  }
0xa: {  	s11 =	simm.s32 $0x2C00;
	s12 =	simm.s32 $0x1;
	s6 =	sadd.s32 s6, s5  }
0xb: {  	s31 =	sshll.u32 s8, $0x3;
	s5 =	smax.u32 s29, $0x1;
	s8 =	simm.s32 $0x3  }
0xc: {  	s4 =	sadd.s32 $0x2E00, s6;
	s6 =	sshrl.u32 s30, $0x3;
	s7 =	sadd.s32 s31, s13  }
0xd: {  	s6 =	sadd.s32 s6, s13;
	s7 =	sadd.s32 $0x400, s7;
	s13 =	simm.s32 $0x2  }
.LBB2_1:
0xe: {  	[tilespmem:s2], [sflag:$0x3] =	stream.linear.gather [hbm4b:s4+s2], $0xC00, $0x38;
	[tilespmem:$0x4C00] =	vst v63  }
0xf: {  	_ =	swait.ge [sflag:s8], $0xC00  }
0x10: {  	[sflag:s8] =	ssyncset.done $0x0  }
0x11: {  	[sflag:s8] =	ssyncadd.s32 $0xFFFFF400  }
0x12: {  	[tilespmem:s10], [sflag:$0x1] =	stream.indirect.gather [hbm4b:s3+s9], $0x40, s2, s9, $0xb8;
	[tilespmem:$0x4C00] =	vst v63  }
0x13: {  	s15 =	simm.s32 $0x80  }
0x14: {  	[tilespmem:s11], [sflag:$0x2] =	stream.indirect.gather [hbm4b:s3+s9], $0x40, s15, s9, $0xb8;
	[tilespmem:$0x4C00] =	vst v63  }
0x15: {  	_ =	swait.ge [sflag:s12], $0x2000  }
0x16: {  	[sflag:s12] =	ssyncset.done $0x0  }
0x17: {  	s30 =	sadd.s32 $0x0, s6;
	[sflag:s12] =	ssyncadd.s32 $0xFFFFE000  }
0x18: {  	[hbm4b:s30+s2] =	stream.linear.scatter [tilespmem:s10], [sflag:$0x3], $0x2000, $0x38;
	[tilespmem:$0x4C00] =	vst v63  }
0x19: {  	_ =	swait.ge [sflag:s8], $0x2000  }
0x1a: {  	[sflag:s8] =	ssyncset.done $0x0  }
0x1b: {  	[sflag:s8] =	ssyncadd.s32 $0xFFFFE000  }
0x1c: {  	_ =	swait.ge [sflag:s13], $0x2000  }
0x1d: {  	[sflag:s13] =	ssyncset.done $0x0  }
0x1e: {  	s31 =	sadd.s32 $0x0, s7;
	[sflag:s13] =	ssyncadd.s32 $0xFFFFE000  }
0x1f: {  	[hbm4b:s31+s2] =	stream.linear.scatter [tilespmem:s11], [sflag:$0x3], $0x2000, $0x38;
	[tilespmem:$0x4C00] =	vst v63  }
0x20: {  	_ =	swait.ge [sflag:s8], $0x2000  }
0x21: {  	s16 =	simm.s32 $0x0;
	s15 =	simm.s32 $0x800;
	[sflag:s8] =	ssyncset.done $0x0  }
.LBB2_2:
0x22: {  	p0 =	sne.s32 s15, $0x5800;
	[sflag:s8] =	ssyncadd.s32 $0xFFFFE000;
	s16 =	sadd.s32 $0x100, s16  }
0x23: {  	[tilespmem:s10], [sflag:$0x1] =	stream.indirect.gather [hbm4b:s3+s9], $0x40, s16, s9, $0xb8;
	[tilespmem:$0x4C00] =	vst v63  }
0x24: {  	s18 =	smov.u32 s15;
	s15 =	sadd.s32 $0x800, s15;
	s17 =	sadd.s32 $0x80, s16  }
0x25: {  	[tilespmem:s11], [sflag:$0x2] =	stream.indirect.gather [hbm4b:s3+s9], $0x40, s17, s9, $0xb8;
	[tilespmem:$0x4C00] =	vst v63  }
0x26: {  	_ =	swait.ge [sflag:s12], $0x2000  }
0x27: {  	[sflag:s12] =	ssyncset.done $0x0  }
0x28: {  	s17 =	sadd.s32 s18, s6;
	[sflag:s12] =	ssyncadd.s32 $0xFFFFE000  }
0x29: {  	[hbm4b:s17+s2] =	stream.linear.scatter [tilespmem:s10], [sflag:$0x3], $0x2000, $0x38;
	[tilespmem:$0x4C00] =	vst v63  }
0x2a: {  	_ =	swait.ge [sflag:s8], $0x2000  }
0x2b: {  	[sflag:s8] =	ssyncset.done $0x0  }
0x2c: {  	[sflag:s8] =	ssyncadd.s32 $0xFFFFE000  }
0x2d: {  	_ =	swait.ge [sflag:s13], $0x2000  }
.Ltmp0:
0x2e: {  	[sflag:s13] =	ssyncset.done $0x0;
	(pc) =	sbr.rel @p0 .LBB2_2-.Ltmp0, $4  }
0x2f: {  	s17 =	sadd.s32 s18, s7;
	[sflag:s13] =	ssyncadd.s32 $0xFFFFE000  }
0x30: {  	[hbm4b:s17+s2] =	stream.linear.scatter [tilespmem:s11], [sflag:$0x3], $0x2000, $0x38;
	[tilespmem:$0x4C00] =	vst v63  }
0x31: {  	_ =	swait.ge [sflag:s8], $0x2000  }
0x32: {  	[sflag:s8] =	ssyncset.done $0x0  }
0x33: {  	s14 =	sadd.s32 $0x1, s14  }
0x34: {  	p0 =	sne.s32 s14, s5  }
.Ltmp1:
0x35: {  	_ = 	snop;
	(pc) =	sbr.rel @p0 .LBB2_1-.Ltmp1, $2  }
0x36: {  	_ =	sdelay $0x2  }
0x37: {  	[sflag:s8] =	ssyncadd.s32 $0xFFFFE000  }
0x38: {  	_ =	sfence.sel $0x180000  }
0x39: {  	[bflag:$0x0] =	sbarrier.arrive $0xFFFF  }
0x3a: {  	p0 =	sne.s32 s0, $0x0;
	_ =	strace $0x90000047  }
0x3b: {  	s0 =	sadd.s32 @!p0 $0x100000, s1;
	[bflag:$0x2] =	sbarrier.arrive $0xFFFF  }
0x3c: {  	[sflag:s0] =	ssyncadd.tile.s32 @!p0 $0x1;
	_ =	shalt  }
.Lfunc_end2:
_tile_overlayer_lowered:
.L_overlay_start_2:
0x3d: {  	(tag) =	ssettag $0x2  }
0x3e: {  	s0 =	rddreg [dreg:$0x0];
	s2 =	stileid.u32  }
0x3f: {  	s1 =	rddreg [dreg:$0x1];
	p0 =	sne.s32 s2, $0x0  }
0x40: {  	s3 =	rddreg [dreg:$0x2];
	[bflag:$0x3] =	sbarrier.arrive $0xFFFF;
	s2 =	simm.s32 @!p0 $0x1C03  }
0x41: {  	[timem:s3], [sflag:s2] =	dma.local @!p0 [hbm:s0], s1  }
0x42: {  	s0 =	simm.s32 @!p0 $0x3  }
0x43: {  	_ =	swait.ge @!p0 [sflag:s0], s1  }
0x44: {  	s1 =	ssub.s32 @!p0 $0x0, s1;
	[sflag:s0] =	ssyncset.done @!p0 $0x0  }
0x45: {  	[sflag:s0] =	ssyncadd.s32 @!p0 s1  }
0x46: {  	[bflag:$0x3] =	sbarrier.arrive $0xFFFF  }
0x47: {  	_ =	shalt  }

// kernel: kernel.13.cloned.1.call-start
scs
__scs_entry_jumppad:
0x0: {  	(pc) =	sbr.rel $0x88, $3  }
0x1: {  	(tag) =	ssettag $0x0;
	lr =	simm.s32 $0x1  }
0x2: {  	[smem:$0x3F98] =	sst lr;
	_ =	strace $0xD0000000  }
0x3: {  	_ = 	snop  }
0x4: {  	_ = 	snop  }
0x5: {  	_ = 	snop  }
0x6: {  	_ = 	snop  }
0x7: {  	_ = 	snop  }
__scs_overlays_trampoline_lowered:
0x8: {  	[smem:$0x3FA7] =	sst s0  }
0x9: {  	[smem:$0x3FA8] =	sst s1  }
0xa: {  	[smem:$0x3FA9] =	sst s2  }
0xb: {  	[smem:$0x3FAA] =	sst s3  }
0xc: {  	[smem:$0x3FAB] =	sst s4  }
0xd: {  	[smem:$0x3FAC] =	sst s5  }
0xe: {  	[smem:$0x3FAD] =	sst s6  }
0xf: {  	[smem:$0x3FAE] =	sst s7  }
0x10: {  	[smem:$0x3FAF] =	sst s8  }
0x11: {  	[smem:$0x3FB0] =	sst s9;
	s0 =	simm.s32 @!p0 $0x0  }
0x12: {  	s1 =	sld [smem:$0x3F96];
	s0 =	simm.s32 @p0 $0x1  }
0x13: {  	[smem:$0x3FB1] =	sst s0;
	s0 =	simm.s32 @!p1 $0x0  }
0x14: {  	s2 =	sld [smem:$0x3F95];
	s0 =	simm.s32 @p1 $0x1  }
0x15: {  	[smem:$0x3FB2] =	sst s0;
	s0 =	simm.s32 @!p2 $0x0  }
0x16: {  	s3 =	sld [smem:$0x3FDB];
	s0 =	simm.s32 @p2 $0x1  }
0x17: {  	s4 =	simm.s32 $0x1BF5;
	[smem:$0x3FB4] =	sst s0  }
0x18: {  	s0 =	sld [smem:$0x3F97];
	_ =	swait.ge [sflag:s4], $0x0  }
0x19: {  	s7 =	sld [smem:$0x3F98]  }
0x1a: {  	s8 =	sadd.s32 $0xFFFFE003, lr  }
0x1b: {  	s9 =	sadd.s32 $0xFFFFFEF7, lr;
	s5 =	simm.s32 $0xFFFFFFFF;
	p2 =	slt.u32 s8, $0xFFFFF086  }
0x1c: {  	p1 =	slt.u32 s9, $0xF7A;
	s5 =	simm.s32 @!p2 $0x0  }
0x1d: {  	s5 =	simm.s32 @p1 $0x1;
	p0 =	seq.s32 s7, s2  }
0x1e: {  	s7 =	smul.u32 @!p0 $0xF7A, s2;
	p2 =	seq.s32 @!p0 s5, $0x0  }
0x1f: {  	s9 =	smul.u32 $0xF7A, s1;
	s8 =	simm.s32 @!p0 $0x1BF5;
	p2 =	por !p2, p0  }
0x20: {  	[sflag:s8] =	ssyncset.s32 @!p0 $0xFFFFF086;
	s6 =	sadd.s32 @!p0 s3, s7;
	s7 =	simm.s32 @!p0 $0x108  }
0x21: {  	s3 =	sadd.s32 s3, s9;
	s6 =	sadd.s32 @!p0 $0x88, s6;
	s7 =	simm.s32 @p2 $0x1082  }
0x22: {  	[simem:s7], [sflag:s8] =	dma.local @!p0 [hbm:s6], $0xF7A  }
0x23: {  	s9 =	sor.u32 $0xD0000000, s2;
	s6 =	simm.s32 $0x108;
	_ =	swait.ge @!p0 [sflag:s8], $0x0  }
0x24: {  	s3 =	sadd.s32 $0x88, s3;
	s6 =	simm.s32 @!p1 $0x1082;
	[sflag:s4] =	ssyncset.s32 $0xFFFFF086  }
0x25: {  	[simem:s6], [sflag:s4] =	dma.local [hbm:s3], $0xF7A  }
0x26: {  	[smem:$0x3F98] =	sst s1;
	(tag) =	ssettag s2;
	_ =	strace s9  }
0x27: {  	s1 =	sld [smem:$0x3FA8]  }
0x28: {  	s2 =	sld [smem:$0x3FA9]  }
0x29: {  	s4 =	sld [smem:$0x3FAB]  }
0x2a: {  	p0 =	seq.s32 s5, $0x0;
	s5 =	sld [smem:$0x3FAC]  }
0x2b: {  	s6 =	sld [smem:$0x3FAD]  }
0x2c: {  	s7 =	sld [smem:$0x3FAE]  }
0x2d: {  	s3 =	simm.s32 $0x108;
	s8 =	sld [smem:$0x3FAF]  }
0x2e: {  	s3 =	simm.s32 @!p0 $0x1082;
	s9 =	sld [smem:$0x3FB0]  }
0x2f: {  	lr =	sadd.s32 s0, s3;
	s0 =	sld [smem:$0x3FA7]  }
0x30: {  	s3 =	sld [smem:$0x3FAA]  }
0x31: {  	[smem:$0x3FB3] =	sst s10  }
0x32: {  	s10 =	sld [smem:$0x3FB1];
	_ =	sdelay $0x3  }
0x33: {  	p0 =	seq.s32 s10, $0x1;
	s10 =	sld [smem:$0x3FB3];
	_ =	sdelay $0x3  }
0x34: {  	[smem:$0x3FB3] =	sst s10  }
0x35: {  	s10 =	sld [smem:$0x3FB2];
	_ =	sdelay $0x3  }
0x36: {  	p1 =	seq.s32 s10, $0x1;
	s10 =	sld [smem:$0x3FB3];
	_ =	sdelay $0x3  }
0x37: {  	[smem:$0x3FB3] =	sst s10  }
0x38: {  	s10 =	sld [smem:$0x3FB4]  }
0x39: {  	_ = 	snop;
	(pc) =	sbr.ind lr, $3  }
0x3a: {  	_ = 	snop  }
0x3b: {  	_ = 	snop  }
0x3c: {  	p2 =	seq.s32 s10, $0x1;
	s10 =	sld [smem:$0x3FB3]  }
0x3d: {  	_ =	shalt  }
0x3e: {  	_ =	shalt  }
0x3f: {  	_ =	shalt  }
0x40: {  	_ =	shalt  }
0x41: {  	_ =	shalt  }
0x42: {  	_ =	shalt  }
0x43: {  	_ =	shalt  }
0x44: {  	_ =	shalt  }
0x45: {  	_ =	shalt  }
0x46: {  	_ =	shalt  }
0x47: {  	_ =	shalt  }
0x48: {  	_ =	shalt  }
0x49: {  	_ =	shalt  }
0x4a: {  	_ =	shalt  }
0x4b: {  	_ =	shalt  }
0x4c: {  	_ =	shalt  }
0x4d: {  	_ =	shalt  }
0x4e: {  	_ =	shalt  }
0x4f: {  	_ =	shalt  }
0x50: {  	_ =	shalt  }
0x51: {  	_ =	shalt  }
0x52: {  	_ =	shalt  }
0x53: {  	_ =	shalt  }
0x54: {  	_ =	shalt  }
0x55: {  	_ =	shalt  }
0x56: {  	_ =	shalt  }
0x57: {  	_ =	shalt  }
0x58: {  	_ =	shalt  }
0x59: {  	_ =	shalt  }
0x5a: {  	_ =	shalt  }
0x5b: {  	_ =	shalt  }
0x5c: {  	_ =	shalt  }
0x5d: {  	_ =	shalt  }
0x5e: {  	_ =	shalt  }
0x5f: {  	_ =	shalt  }
0x60: {  	_ =	shalt  }
0x61: {  	_ =	shalt  }
0x62: {  	_ =	shalt  }
0x63: {  	_ =	shalt  }
0x64: {  	_ =	shalt  }
0x65: {  	_ =	shalt  }
0x66: {  	_ =	shalt  }
0x67: {  	_ =	shalt  }
0x68: {  	_ =	shalt  }
0x69: {  	_ =	shalt  }
0x6a: {  	_ =	shalt  }
0x6b: {  	_ =	shalt  }
0x6c: {  	_ =	shalt  }
0x6d: {  	_ =	shalt  }
0x6e: {  	_ =	shalt  }
0x6f: {  	_ =	shalt  }
0x70: {  	_ =	shalt  }
0x71: {  	_ =	shalt  }
0x72: {  	_ =	shalt  }
0x73: {  	_ =	shalt  }
0x74: {  	_ =	shalt  }
0x75: {  	_ =	shalt  }
0x76: {  	_ =	shalt  }
0x77: {  	_ =	shalt  }
0x78: {  	_ =	shalt  }
0x79: {  	_ =	shalt  }
0x7a: {  	_ =	shalt  }
0x7b: {  	_ =	shalt  }
0x7c: {  	_ =	shalt  }
0x7d: {  	_ =	shalt  }
0x7e: {  	_ =	shalt  }
0x7f: {  	_ =	shalt  }
0x80: {  	_ =	shalt  }
0x81: {  	_ =	shalt  }
0x82: {  	_ =	shalt  }
0x83: {  	_ =	shalt  }
0x84: {  	_ =	shalt  }
0x85: {  	_ =	shalt  }
0x86: {  	_ =	shalt  }
0x87: {  	_ =	shalt  }
.Lfunc_end0:
.L_simem_size_0:
called_computation.1_lowered:
.L_overlay_start_0:
0x88: {  	s2 =	sld [smem:$0x3FD9]  }
0x89: {  	s3 =	sld [smem:$0x3FFE];
	_ =	sdelay $0x1  }
0x8a: {  	s1 =	srdreg.scid  }
0x8b: {  	s0 =	sand.u32 $0x1, s1  }
0x8c: {  	s15 =	sshll.u32 s0, $0xA;
	s2 =	sadd.s32 s3, s2  }
0x8d: {  	s2 =	sadd.s32 s2, s15  }
0x8e: {  	[smem:$0x3FBF] =	sst s2  }
0x8f: {  	_ = 	snop  }
0x90: {  	s2 =	sld [smem:$0x3FD0];
	_ =	sdelay $0x2  }
0x91: {  	s16 =	simm.s32 $0xB;
	s4 =	simm.s32 $0x10  }
0x92: {  	[smem:s4], [sflag:s16] =	dma.local [hbm:s2], $0x1  }
0x93: {  	_ =	swait.eq [sflag:s16], $0x1  }
0x94: {  	[sflag:s16] =	ssyncset.done $0x0  }
0x95: {  	[sflag:s16] =	ssyncadd.s32 $0xFFFFFFFF  }
0x96: {  	s17 =	sld [smem:$0x10];
	(tm) =	ssettm $0x1  }
0x97: {  	s18 =	sld [smem:$0x3FFB];
	_ =	sdelay $0x3  }
0x98: {  	_ =	strace s18  }
0x99: {  	s2 =	sld [smem:$0x3FFC];
	_ =	sdelay $0x3  }
0x9a: {  	_ =	strace s2  }
0x9b: {  	s2 =	sld [smem:$0x3FFD];
	_ =	sdelay $0x3  }
0x9c: {  	_ =	strace s2  }
0x9d: {  	_ =	strace $0x8FFFFFFF  }
0x9e: {  	s19 =	sld [smem:$0x3FDB];
	_ =	sdelay $0x1  }
0x9f: {  	s20 =	simm.s32 $_scs_section_size  }
0xa0: {  	s5 =	simm.s32 $_size__tile_overlayer_lowered;
	s6 =	simm.s32 $_tile_overlayer_lowered  }
0xa1: {  	s7 =	simm.s32 $0x1BFF;
	s21 =	sshll.u32 s6, $0x1;
	s4 =	sadd.s32 s20, s19  }
0xa2: {  	s22 =	simm.s32 $0x0;
	s5 =	sshll.u32 s5, $0x1;
	s6 =	sadd.s32 s21, s4  }
0xa3: {  	[timem:s22], [sflag:s7] =	dma.local [hbm:s6], s5  }
0xa4: {  	_ =	swait.ge [sflag:s7], s5  }
0xa5: {  	s5 =	ssub.s32 $0x0, s5;
	[sflag:s7] =	ssyncset.done $0x0  }
0xa6: {  	[sflag:s7] =	ssyncadd.s32 s5;
	_ =	sdelay $0x1  }
0xa7: {  	s23 =	simm.s32 $0x1B8B  }
0xa8: {  	_ =	swait.ge [sflag:s23], $0x1  }
0xa9: {  	[sflag:s23] =	ssyncset.done $0x0  }
0xaa: {  	[sflag:s23] =	ssyncadd.s32 $0xFFFFFFFF  }
0xab: {  	s5 =	sld [smem:$0x0]  }
0xac: {  	s6 =	sand.u32 $0xFFFFFFFE, s1  }
0xad: {  	p0 =	sne.s32 s1, s6  }
0xae: {  	s6 =	sshll.u32 @p0 s6, $0xE  }
0xaf: {  	s6 =	sadd.s32 @p0 $0x11B8D, s6;
	s7 =	sshll.u32 @p0 s5, $0x11  }
0xb0: {  	s6 =	sor.u32 @p0 s7, s6  }
0xb1: {  	[sflag:s6] =	ssyncadd.remote.s32 @p0 $0x1;
	_ =	sdelay $0x1  }
0xb2: {  	s6 =	simm.s32 @p0 $0x1B8D  }
0xb3: {  	_ =	swait.eq @p0 [sflag:s6], $0x1  }
0xb4: {  	[sflag:s6] =	ssyncadd.s32 @p0 $0xFFFFFFFF  }
0xb5: {  	s7 =	sshll.u32 @!p0 s1, $0xE  }
0xb6: {  	s7 =	sor.u32 @!p0 $0x4000, s7;
	s6 =	simm.s32 @!p0 $0x1B8D  }
0xb7: {  	s5 =	sshll.u32 @!p0 s5, $0x11;
	s7 =	sadd.s32 @!p0 $0x11B8D, s7;
	_ =	swait.eq @!p0 [sflag:s6], $0x1  }
0xb8: {  	s5 =	sor.u32 @!p0 s5, s7;
	[sflag:s6] =	ssyncadd.s32 @!p0 $0xFFFFFFFF  }
0xb9: {  	s25 =	simm.s32 $0x1B8E;
	s24 =	sld [smem:$0x3FFE];
	[sflag:s5] =	ssyncadd.remote.s32 @!p0 $0x1  }
0xba: {  	s26 =	simm.s32 $execute0_lowered;
	[smem:$0x3FD2] =	sst s25  }
0xbb: {  	s6 =	sshll.u32 s26, $0x1;
	_ =	strace $0x80000049;
	[dreg:$0x1] =	wrdreg $0xFFFFFFFF  }
0xbc: {  	s28 =	simm.s32 $_size_execute0_lowered;
	s4 =	sadd.s32 s4, s6;
	[dreg:$0x0] =	wrdreg $0x0  }
0xbd: {  	s6 =	sshll.u32 s28, $0x1;
	[dreg:$0x2] =	wrdreg s4  }
0xbe: {  	[dreg:$0x3] =	wrdreg s6  }
0xbf: {  	[dreg:$0x4] =	wrdreg $0xC0  }
0xc0: {  	_ =	task [dreg:s22], $0x5FFFF  }
0xc1: {  	[dreg:$0x1] =	wrdreg $0xFFFFFFFF  }
0xc2: {  	[dreg:$0x0] =	wrdreg $0x60  }
0xc3: {  	[dreg:$0x2] =	wrdreg s24  }
0xc4: {  	[dreg:$0x3] =	wrdreg s17  }
0xc5: {  	[dreg:$0x4] =	wrdreg $0xA  }
0xc6: {  	_ =	task.clear_ibuf [dreg:s22], $0x5FFFF;
	_ =	strace $0x90000049  }
0xc7: {  	s29 =	simm.s32 $0xA;
	_ =	strace $0x8000004B  }
0xc8: {  	_ =	swait.ge [sflag:s29], $0x1  }
0xc9: {  	[sflag:s29] =	ssyncadd.s32 $0xFFFFFFFF  }
0xca: {  	_ =	strace $0x9000004B  }
0xcb: {  	_ =	sfence  }
0xcc: {  	s30 =	sld [smem:$0x0];
	_ =	sdelay $0x2  }
0xcd: {  	s31 =	sshll.u32 s1, $0xD;
	s1 =	sshrl.u32 s1, $0x2  }
0xce: {  	s4 =	sand.u32 $0x4000, s31;
	s1 =	sadd.s32 s1, s30  }
0xcf: {  	s0 =	sor.u32 s4, s0;
	s1 =	sshll.u32 s1, $0x11  }
0xd0: {  	s0 =	sor.u32 s1, s0  }
0xd1: {  	s0 =	sadd.s32 $0x8F2B, s0  }
0xd2: {  	[sflag:s0] =	ssyncadd.remote.s32 $0x1  }
0xd3: {  	_ =	sfence.sel $0xFFFF  }
0xd4: {  	[dreg:$0x0] =	wrdreg $0xFFFFFFFF;
	(pc) =	sbr.abs _section_cstart, $3  }
0xd5: {  	[dreg:$0x1] =	wrdreg $0xFFFFFFFF  }
0xd6: {  	_ =	task.clear_ibuf [dreg:s22], $0x2FFFF;
	_ =	strace $0x9FFFFFFF  }
0xd7: {  	(tm) =	ssettm $0x7FFFFFFF  }
tec
execute0_lowered:
.L_overlay_start_1:
0x0: {  	(tag) =	ssettag $0x1  }
0x1: {  	s1 =	srdreg.scid;
	s5 =	rddreg [dreg:$0x0]  }
0x2: {  	s0 =	stileid.u32;
	s6 =	rddreg [dreg:$0x1]  }
0x3: {  	s2 =	simm.s32 $0x0;
	s4 =	sand.u32 $0x1, s1;
	s8 =	smul.u32 $0x60000, s0  }
0x4: {  	s28 =	sshll.u32 s0, $0x1;
	[smem:$0x7FF] =	sst s2;
	s9 =	smul.u32 $0x1800, s0  }
0x5: {  	s3 =	sadd.s32 $0x5E00, s5;
	s14 =	sadd.s32 $0xE5E00, s5;
	s11 =	smul.u32 $0xC00, s4  }
0x6: {  	s1 =	sor.u32 s4, s28;
	s10 =	ssub.s32 $0x2, s4;
	s13 =	smul.u32 $0x30000, s4  }
0x7: {  	s7 =	smul.u32 $0x180, s1;
	s1 =	rddreg [dreg:$0x2];
	s12 =	sshrl.u32 s10, $0x1  }
0x8: {  	_ =	strace $0x8000004A;
	s29 =	ssub.s32 s10, s12;
	s9 =	sadd.s32 s11, s9  }
0x9: {  	s30 =	sadd.s32 s13, s8;
	s8 =	simm.s32 $0x3;
	s10 =	simm.s32 $0xC00  }
0xa: {  	s11 =	simm.s32 $0x2C00;
	s12 =	simm.s32 $0x1;
	s13 =	simm.s32 $0x2  }
0xb: {  	s4 =	sadd.s32 s6, s7;
	s31 =	sshll.u32 s9, $0x3;
	s5 =	smax.u32 s29, $0x1  }
0xc: {  	s6 =	sshrl.u32 s30, $0x3;
	s9 =	simm.s32 $0x80;
	s7 =	sadd.s32 s31, s14  }
0xd: {  	s6 =	sadd.s32 s6, s14;
	s14 =	simm.s32 $0x0;
	s7 =	sadd.s32 $0x400, s7  }
.LBB2_1:
0xe: {  	[tilespmem:s2], [sflag:$0x3] =	stream.linear.gather [hbm4b:s4+s2], $0xC00, $0x38;
	[tilespmem:$0x4C00] =	vst v63  }
0xf: {  	_ =	swait.ge [sflag:s8], $0xC00  }
0x10: {  	[sflag:s8] =	ssyncset.done $0x0  }
0x11: {  	[sflag:s8] =	ssyncadd.s32 $0xFFFFF400  }
0x12: {  	[tilespmem:s10], [sflag:$0x1] =	stream.indirect.gather [hbm4b:s3+s9], $0x40, s2, s9, $0xb8;
	[tilespmem:$0x4C00] =	vst v63  }
0x13: {  	s15 =	simm.s32 $0x80  }
0x14: {  	[tilespmem:s11], [sflag:$0x2] =	stream.indirect.gather [hbm4b:s3+s9], $0x40, s15, s9, $0xb8;
	[tilespmem:$0x4C00] =	vst v63  }
0x15: {  	_ =	swait.ge [sflag:s12], $0x2000  }
0x16: {  	[sflag:s12] =	ssyncset.done $0x0  }
0x17: {  	s30 =	sadd.s32 $0x0, s6;
	[sflag:s12] =	ssyncadd.s32 $0xFFFFE000  }
0x18: {  	[hbm4b:s30+s2] =	stream.linear.scatter [tilespmem:s10], [sflag:$0x3], $0x2000, $0x38;
	[tilespmem:$0x4C00] =	vst v63  }
0x19: {  	_ =	swait.ge [sflag:s8], $0x2000  }
0x1a: {  	[sflag:s8] =	ssyncset.done $0x0  }
0x1b: {  	[sflag:s8] =	ssyncadd.s32 $0xFFFFE000  }
0x1c: {  	_ =	swait.ge [sflag:s13], $0x2000  }
0x1d: {  	[sflag:s13] =	ssyncset.done $0x0  }
0x1e: {  	s31 =	sadd.s32 $0x0, s7;
	[sflag:s13] =	ssyncadd.s32 $0xFFFFE000  }
0x1f: {  	[hbm4b:s31+s2] =	stream.linear.scatter [tilespmem:s11], [sflag:$0x3], $0x2000, $0x38;
	[tilespmem:$0x4C00] =	vst v63  }
0x20: {  	_ =	swait.ge [sflag:s8], $0x2000  }
0x21: {  	s16 =	simm.s32 $0x0;
	s15 =	simm.s32 $0x800;
	[sflag:s8] =	ssyncset.done $0x0  }
.LBB2_2:
0x22: {  	p0 =	sne.s32 s15, $0x5800;
	[sflag:s8] =	ssyncadd.s32 $0xFFFFE000;
	s16 =	sadd.s32 $0x100, s16  }
0x23: {  	[tilespmem:s10], [sflag:$0x1] =	stream.indirect.gather [hbm4b:s3+s9], $0x40, s16, s9, $0xb8;
	[tilespmem:$0x4C00] =	vst v63  }
0x24: {  	s18 =	smov.u32 s15;
	s15 =	sadd.s32 $0x800, s15;
	s17 =	sadd.s32 $0x80, s16  }
0x25: {  	[tilespmem:s11], [sflag:$0x2] =	stream.indirect.gather [hbm4b:s3+s9], $0x40, s17, s9, $0xb8;
	[tilespmem:$0x4C00] =	vst v63  }
0x26: {  	_ =	swait.ge [sflag:s12], $0x2000  }
0x27: {  	[sflag:s12] =	ssyncset.done $0x0  }
0x28: {  	s17 =	sadd.s32 s18, s6;
	[sflag:s12] =	ssyncadd.s32 $0xFFFFE000  }
0x29: {  	[hbm4b:s17+s2] =	stream.linear.scatter [tilespmem:s10], [sflag:$0x3], $0x2000, $0x38;
	[tilespmem:$0x4C00] =	vst v63  }
0x2a: {  	_ =	swait.ge [sflag:s8], $0x2000  }
0x2b: {  	[sflag:s8] =	ssyncset.done $0x0  }
0x2c: {  	[sflag:s8] =	ssyncadd.s32 $0xFFFFE000  }
0x2d: {  	_ =	swait.ge [sflag:s13], $0x2000  }
.Ltmp0:
0x2e: {  	[sflag:s13] =	ssyncset.done $0x0;
	(pc) =	sbr.rel @p0 .LBB2_2-.Ltmp0, $4  }
0x2f: {  	s17 =	sadd.s32 s18, s7;
	[sflag:s13] =	ssyncadd.s32 $0xFFFFE000  }
0x30: {  	[hbm4b:s17+s2] =	stream.linear.scatter [tilespmem:s11], [sflag:$0x3], $0x2000, $0x38;
	[tilespmem:$0x4C00] =	vst v63  }
0x31: {  	_ =	swait.ge [sflag:s8], $0x2000  }
0x32: {  	[sflag:s8] =	ssyncset.done $0x0  }
0x33: {  	s14 =	sadd.s32 $0x1, s14  }
0x34: {  	p0 =	sne.s32 s14, s5  }
.Ltmp1:
0x35: {  	_ = 	snop;
	(pc) =	sbr.rel @p0 .LBB2_1-.Ltmp1, $2  }
0x36: {  	_ =	sdelay $0x2  }
0x37: {  	[sflag:s8] =	ssyncadd.s32 $0xFFFFE000  }
0x38: {  	_ =	sfence.sel $0x180000  }
0x39: {  	[bflag:$0x0] =	sbarrier.arrive $0xFFFF  }
0x3a: {  	p0 =	sne.s32 s0, $0x0;
	_ =	strace $0x9000004A  }
0x3b: {  	s0 =	sadd.s32 @!p0 $0x100000, s1;
	[bflag:$0x2] =	sbarrier.arrive $0xFFFF  }
0x3c: {  	[sflag:s0] =	ssyncadd.tile.s32 @!p0 $0x1;
	_ =	shalt  }
.Lfunc_end2:
_tile_overlayer_lowered:
.L_overlay_start_2:
0x3d: {  	(tag) =	ssettag $0x2  }
0x3e: {  	s0 =	rddreg [dreg:$0x0];
	s2 =	stileid.u32  }
0x3f: {  	s1 =	rddreg [dreg:$0x1];
	p0 =	sne.s32 s2, $0x0  }
0x40: {  	s3 =	rddreg [dreg:$0x2];
	[bflag:$0x3] =	sbarrier.arrive $0xFFFF;
	s2 =	simm.s32 @!p0 $0x1C03  }
0x41: {  	[timem:s3], [sflag:s2] =	dma.local @!p0 [hbm:s0], s1  }
0x42: {  	s0 =	simm.s32 @!p0 $0x3  }
0x43: {  	_ =	swait.ge @!p0 [sflag:s0], s1  }
0x44: {  	s1 =	ssub.s32 @!p0 $0x0, s1;
	[sflag:s0] =	ssyncset.done @!p0 $0x0  }
0x45: {  	[sflag:s0] =	ssyncadd.s32 @!p0 s1  }
0x46: {  	[bflag:$0x3] =	sbarrier.arrive $0xFFFF  }
0x47: {  	_ =	shalt  }

</sc_bundles>
